<compile_context>
chip_gen: v7x
topology: tpu7x:2x2x1
jax: 0.10.2.dev20260603
libtpu: 0.0.44.dev20260713+nightly
codegen_flags: <defaults>
</compile_context>

<pallas_src>
import functools

import jax
import jax.numpy as jnp
from jax import lax
from jax.experimental import pallas as pl
from jax.experimental.pallas import tpu as pltpu
from jax.experimental.pallas import tpu_sc as plsc

BATCH = 16384
BIT = 64
L = 16
NC = 2
NS = 16
NW = NC * NS
NTRAIN = 100000
TSPLIT = 51200
PACK_BLK = 10240
PACK_GRID = 5
NGRP = 4
GCOL = BIT // NGRP
BPW = BATCH // (NW // NGRP)


def _pack_body(lo_ref, hi_ref, t0_ref, t1_ref, t2_ref, t3_ref):
    j = lax.broadcasted_iota(jnp.int32, (NGRP, BIT), 1)
    q = lax.broadcasted_iota(jnp.int32, (NGRP, BIT), 0)
    inq = (j >= q * GCOL) & (j < (q + 1) * GCOL)
    w = jnp.where(inq, jnp.left_shift(jnp.int32(1), j % GCOL), 0).astype(
        jnp.float32
    )
    dn = (((1,), (0,)), ((), ()))
    dlo = lax.dot_general(w, lo_ref[...], dn, preferred_element_type=jnp.float32)
    dhi = lax.dot_general(w, hi_ref[...], dn, preferred_element_type=jnp.float32)
    plo = ((jnp.float32(65535.0) - dlo) * jnp.float32(0.5)).astype(jnp.int32)
    phi = ((jnp.float32(65535.0) - dhi) * jnp.float32(0.5)).astype(jnp.int32)
    t0_ref[...] = plo[0, :] + jnp.left_shift(phi[0, :], 16)
    t1_ref[...] = plo[1, :] + jnp.left_shift(phi[1, :], 16)
    t2_ref[...] = plo[2, :] + jnp.left_shift(phi[2, :], 16)
    t3_ref[...] = plo[3, :] + jnp.left_shift(phi[3, :], 16)


_pack = pl.pallas_call(
    _pack_body,
    grid=(PACK_GRID,),
    in_specs=[
        pl.BlockSpec((BIT, PACK_BLK), lambda i: (0, i)),
        pl.BlockSpec((BIT, PACK_BLK), lambda i: (0, i + PACK_GRID)),
    ],
    out_specs=[pl.BlockSpec((PACK_BLK,), lambda i: (i,)) for _ in range(NGRP)],
    out_shape=[
        jax.ShapeDtypeStruct((TSPLIT,), jnp.int32) for _ in range(NGRP)
    ],
)

_mesh = plsc.VectorSubcoreMesh(core_axis_name="c", subcore_axis_name="s")


@functools.partial(
    pl.kernel,
    out_type=jax.ShapeDtypeStruct((NW, L), jnp.float32),
    mesh=_mesh,
    scratch_types=[
        pltpu.VMEM((TSPLIT,), jnp.int32),
        pltpu.VMEM((BPW,), jnp.int32),
        pltpu.VMEM((GCOL, BPW), jnp.float32),
        pltpu.VMEM((L,), jnp.float32),
        pltpu.VMEM_SHARED((2, TSPLIT), jnp.int32),
        pltpu.SemaphoreType.DMA,
        pltpu.SemaphoreType.DMA,
        pltpu.SemaphoreType.DMA,
    ],
    compiler_params=pltpu.CompilerParams(needs_layout_passes=False),
)
def _mse_bits(
    ut_hbm, ind_hbm, t0_hbm, t1_hbm, t2_hbm, t3_hbm, out_hbm,
    pg_v, ind_v, ut_v, acc_v, p_sh, psem, isem, usem,
):
    c = lax.axis_index("c")
    s = lax.axis_index("s")
    half = s % 2
    b = s // 2
    wid = s * NC + c
    jbase = pl.multiple_of((c * 2 + half) * GCOL, GCOL)
    ibase = pl.multiple_of(b * BPW, BPW)

    for cc, hh, t_hbm in ((0, 0, t0_hbm), (0, 1, t1_hbm),
                          (1, 0, t2_hbm), (1, 1, t3_hbm)):
        @pl.when(jnp.logical_and(c == cc, jnp.logical_and(s == hh, True)))
        def _(t_hbm=t_hbm, hh=hh):
            pltpu.make_async_copy(t_hbm, p_sh.at[hh], psem).start()

    icopy = pltpu.make_async_copy(ind_hbm.at[pl.ds(ibase, BPW)], ind_v, isem)
    icopy.start()
    ucopy = pltpu.make_async_copy(
        ut_hbm.at[pl.ds(jbase, GCOL), pl.ds(ibase, BPW)], ut_v, usem
    )
    ucopy.start()

    @pl.when(s < 2)
    def _():
        pltpu.make_async_copy(t0_hbm, p_sh.at[0], psem).wait()

    plsc.subcore_barrier()
    pltpu.sync_copy(p_sh.at[half], pg_v)
    icopy.wait()
    ucopy.wait()

    zero = jnp.zeros((L,), jnp.float32)
    accs = (zero, zero, zero, zero)

    @plsc.parallel_loop(0, BPW, L, carry=accs)
    def body(k, a):
        idx = ind_v[pl.ds(k, L)]
        inlo = idx < TSPLIT
        widx = jnp.where(inlo, idx, idx - TSPLIT)
        p = plsc.load_gather(pg_v, [widx])
        pp = jnp.left_shift(p, jnp.where(inlo, 16, 0))
        a = list(a)
        for jj in range(GCOL):
            neg = jnp.left_shift(pp, 15 - jj) < 0
            h = jnp.where(neg, jnp.float32(-1.0), jnp.float32(1.0))
            d = ut_v[jj, pl.ds(k, L)] - h
            a[jj % 4] = a[jj % 4] + d * d
        return tuple(a)

    accs = body
    acc_v[...] = (accs[0] + accs[1]) + (accs[2] + accs[3])
    pltpu.sync_copy(acc_v, out_hbm.at[wid])


def kernel(u, y, ind, H):
    del y
    t0, t1, t2, t3 = _pack(H.T, H.T)
    partials = _mse_bits(u.T, ind.astype(jnp.int32), t0, t1, t2, t3)
    return jnp.sum(partials) * (1.0 / (BATCH * BIT))

# --- scband reference (transcript-rebuilt; emitter-appended) ---
"""Pipeline reference for scband-cnnhloss-20323785244703 (READ-ONLY COPY).

The authoritative reference and input builder live on the scoring server;
editing this copy changes nothing except your own understanding.
"""

import jax, jax.numpy as jnp
import numpy as np

NUM_TRAIN = 100000
BIT = 64
BATCH = 16384
N_CLASSES = 100

def setup_inputs(seed: int = 0) -> dict:
    key = jax.random.key(seed)
    k1, k2, k3, k4 = jax.random.split(key, 4)
    # H is the fixed binary code table produced by stage_one (H.sign()).
    H = jnp.sign(jax.random.uniform(k1, (NUM_TRAIN, BIT), minval=-1.0, maxval=1.0, dtype=jnp.float32))
    H = jnp.where(H == 0, jnp.float32(1.0), H)
    u = jax.random.normal(k2, (BATCH, BIT), dtype=jnp.float32)
    y = jax.random.normal(k3, (BATCH, N_CLASSES), dtype=jnp.float32)
    ind = jax.random.randint(k4, (BATCH,), 0, NUM_TRAIN, dtype=jnp.int64) if jax.config.read('jax_enable_x64') else jax.random.randint(k4, (BATCH,), 0, NUM_TRAIN, dtype=jnp.int32)
    return {"u": u, "y": y, "ind": ind, "H": H}

def reference(u, y, ind, H):
    # loss = (u - self.H[ind]).pow(2).mean()
    target = jnp.take(H, ind, axis=0)  # embedding-style row gather
    loss = jnp.mean((u - target) ** 2)
    return loss

if __name__ == "__main__":
    import jax
    _d = setup_inputs()
    print(jax.jit(kernel)(*tuple(_d.values())))

</pallas_src>

<mosaic_0001>
#map = affine_map<(d0, d1) -> (0, 0)>
#map1 = affine_map<(d0, d1) -> (0)>
module attributes {stable_mosaic.version = 14 : i64} {
  func.func @_mse_bits(%arg0: i32, %arg1: i32, %arg2: memref<64x16384xf32, #tpu.memory_space<hbm>>, %arg3: memref<16384xi32, #tpu.memory_space<hbm>>, %arg4: memref<51200xi32, #tpu.memory_space<hbm>>, %arg5: memref<51200xi32, #tpu.memory_space<hbm>>, %arg6: memref<51200xi32, #tpu.memory_space<hbm>>, %arg7: memref<51200xi32, #tpu.memory_space<hbm>>, %arg8: memref<32x16xf32, #tpu.memory_space<hbm>>, %arg9: memref<51200xi32, #tpu.memory_space<vmem>>, %arg10: memref<2048xi32, #tpu.memory_space<vmem>>, %arg11: memref<16x2048xf32, #tpu.memory_space<vmem>>, %arg12: memref<16xf32, #tpu.memory_space<vmem>>, %arg13: memref<2x51200xi32, #tpu.memory_space<vmem_shared>>, %arg14: memref<!tpu.dma_semaphore, #tpu.memory_space<semaphore_mem>>, %arg15: memref<!tpu.dma_semaphore, #tpu.memory_space<semaphore_mem>>, %arg16: memref<!tpu.dma_semaphore, #tpu.memory_space<semaphore_mem>>) attributes {dimension_semantics = [#tpu.dimension_semantics<core_parallel>, #tpu.dimension_semantics<subcore_parallel>], iteration_bounds = array<i64: 2, 16>, scalar_prefetch = 0 : i64, scratch_operands = 8 : i64, tpu.core_type = #tpu.core_type<sc_vector_subcore>, window_params = [{transform_indices = #map}, {transform_indices = #map1}, {transform_indices = #map1}, {transform_indices = #map1}, {transform_indices = #map1}, {transform_indices = #map1}, {transform_indices = #map}]} {
    %jit3A = arith.constant 2 : i32
    %eq3A = arith.constant 0 : i32
    %eq3A_0 = arith.cmpi eq, %jit3A, %eq3A : i32
    %jit3A_1 = arith.constant 1 : i32
    %select_n3A = arith.select %eq3A_0, %jit3A_1, %jit3A : i32
    %rem3A = arith.remsi %arg1, %select_n3A : i32
    %ne3A = arith.constant 0 : i32
    %ne3A_2 = arith.cmpi ne, %rem3A, %ne3A : i32
    %lt3A = arith.constant 0 : i32
    %lt3A_3 = arith.cmpi slt, %rem3A, %lt3A : i32
    %lt3A_4 = arith.constant 0 : i32
    %lt3A_5 = arith.cmpi slt, %select_n3A, %lt3A_4 : i32
    %ne3A_6 = arith.xori %lt3A_3, %lt3A_5 : i1
    %and3A = arith.andi %ne3A_6, %ne3A_2 : i1
    %add3A = arith.addi %rem3A, %select_n3A : i32
    %select_n3A_7 = arith.select %and3A, %add3A, %rem3A : i32
    %jit3A_8 = arith.constant 2 : i32
    %div3A = arith.divsi %arg1, %jit3A_8 : i32
    %sign3A = arith.constant 0 : i32
    %sign3A_9 = arith.cmpi sgt, %arg1, %sign3A : i32
    %sign3A_10 = arith.extui %sign3A_9 : i1 to i32
    %sign3A_11 = arith.constant 0 : i32
    %sign3A_12 = arith.cmpi slt, %arg1, %sign3A_11 : i32
    %sign3A_13 = arith.extui %sign3A_12 : i1 to i32
    %sign3A_14 = arith.subi %sign3A_10, %sign3A_13 : i32
    %sign3A_15 = arith.constant 0 : i32
    %sign3A_16 = arith.cmpi sgt, %jit3A_8, %sign3A_15 : i32
    %sign3A_17 = arith.extui %sign3A_16 : i1 to i32
    %sign3A_18 = arith.constant 0 : i32
    %sign3A_19 = arith.cmpi slt, %jit3A_8, %sign3A_18 : i32
    %sign3A_20 = arith.extui %sign3A_19 : i1 to i32
    %sign3A_21 = arith.subi %sign3A_17, %sign3A_20 : i32
    %ne3A_22 = arith.cmpi ne, %sign3A_14, %sign3A_21 : i32
    %rem3A_23 = arith.remsi %arg1, %jit3A_8 : i32
    %ne3A_24 = arith.constant 0 : i32
    %ne3A_25 = arith.cmpi ne, %rem3A_23, %ne3A_24 : i32
    %and3A_26 = arith.andi %ne3A_22, %ne3A_25 : i1
    %sub3A = arith.constant 1 : i32
    %sub3A_27 = arith.subi %div3A, %sub3A : i32
    %select_n3A_28 = arith.select %and3A_26, %sub3A_27, %div3A : i32
    %mul3A = arith.constant 2 : i32
    %mul3A_29 = arith.muli %arg1, %mul3A : i32
    %add3A_30 = arith.addi %mul3A_29, %arg0 : i32
    %mul3A_31 = arith.constant 2 : i32
    %mul3A_32 = arith.muli %arg0, %mul3A_31 : i32
    %add3A_33 = arith.addi %mul3A_32, %select_n3A_7 : i32
    %mul3A_34 = arith.constant 16 : i32
    %mul3A_35 = arith.muli %add3A_33, %mul3A_34 : i32
    %multiple_of3A = tpu.assume_multiple %mul3A_35, 16 : i32
    %mul3A_36 = arith.constant 2048 : i32
    %mul3A_37 = arith.muli %select_n3A_28, %mul3A_36 : i32
    %multiple_of3A_38 = tpu.assume_multiple %mul3A_37, 2048 : i32
    %eq3A_39 = arith.constant 0 : i32
    %eq3A_40 = arith.cmpi eq, %arg0, %eq3A_39 : i32
    %eq3A_41 = arith.constant 0 : i32
    %eq3A_42 = arith.cmpi eq, %arg1, %eq3A_41 : i32
    %and3A_43 = arith.constant true
    %and3A_44 = arith.andi %eq3A_42, %and3A_43 : i1
    %and3A_45 = arith.andi %eq3A_40, %and3A_44 : i1
    %convert_element_type3A = arith.extui %and3A_45 : i1 to i32
    %cond3A = arith.constant 0 : i32
    %cond3A_46 = arith.cmpi ne, %convert_element_type3A, %cond3A : i32
    scf.if %cond3A_46 {
      %dma_start3A_96 = arith.constant 0 : i32
      %dma_start3A_97 = arith.constant 0 : i32
      %dma_start3A_98 = tpu.memref_slice %arg13[%dma_start3A_96, %dma_start3A_97] : memref<2x51200xi32, #tpu.memory_space<vmem_shared>> -> memref<1x51200xi32, #tpu.memory_space<vmem_shared>>
      %dma_start3A_99 = tpu.memref_squeeze %dma_start3A_98 : memref<1x51200xi32, #tpu.memory_space<vmem_shared>> -> memref<51200xi32, #tpu.memory_space<vmem_shared>>
      tpu.enqueue_dma source(%arg4 : memref<51200xi32, #tpu.memory_space<hbm>>) target(%dma_start3A_99 : memref<51200xi32, #tpu.memory_space<vmem_shared>>) target_semaphore(%arg14 : memref<!tpu.dma_semaphore, #tpu.memory_space<semaphore_mem>>)
    } else {
    }
    %eq3A_47 = arith.constant 0 : i32
    %eq3A_48 = arith.cmpi eq, %arg0, %eq3A_47 : i32
    %eq3A_49 = arith.constant 1 : i32
    %eq3A_50 = arith.cmpi eq, %arg1, %eq3A_49 : i32
    %and3A_51 = arith.constant true
    %and3A_52 = arith.andi %eq3A_50, %and3A_51 : i1
    %and3A_53 = arith.andi %eq3A_48, %and3A_52 : i1
    %convert_element_type3A_54 = arith.extui %and3A_53 : i1 to i32
    %cond3A_55 = arith.constant 0 : i32
    %cond3A_56 = arith.cmpi ne, %convert_element_type3A_54, %cond3A_55 : i32
    scf.if %cond3A_56 {
      %dma_start3A_96 = arith.constant 1 : i32
      %dma_start3A_97 = arith.constant 0 : i32
      %dma_start3A_98 = tpu.memref_slice %arg13[%dma_start3A_96, %dma_start3A_97] : memref<2x51200xi32, #tpu.memory_space<vmem_shared>> -> memref<1x51200xi32, #tpu.memory_space<vmem_shared>>
      %dma_start3A_99 = tpu.memref_squeeze %dma_start3A_98 : memref<1x51200xi32, #tpu.memory_space<vmem_shared>> -> memref<51200xi32, #tpu.memory_space<vmem_shared>>
      tpu.enqueue_dma source(%arg5 : memref<51200xi32, #tpu.memory_space<hbm>>) target(%dma_start3A_99 : memref<51200xi32, #tpu.memory_space<vmem_shared>>) target_semaphore(%arg14 : memref<!tpu.dma_semaphore, #tpu.memory_space<semaphore_mem>>)
    } else {
    }
    %eq3A_57 = arith.constant 1 : i32
    %eq3A_58 = arith.cmpi eq, %arg0, %eq3A_57 : i32
    %eq3A_59 = arith.constant 0 : i32
    %eq3A_60 = arith.cmpi eq, %arg1, %eq3A_59 : i32
    %and3A_61 = arith.constant true
    %and3A_62 = arith.andi %eq3A_60, %and3A_61 : i1
    %and3A_63 = arith.andi %eq3A_58, %and3A_62 : i1
    %convert_element_type3A_64 = arith.extui %and3A_63 : i1 to i32
    %cond3A_65 = arith.constant 0 : i32
    %cond3A_66 = arith.cmpi ne, %convert_element_type3A_64, %cond3A_65 : i32
    scf.if %cond3A_66 {
      %dma_start3A_96 = arith.constant 0 : i32
      %dma_start3A_97 = arith.constant 0 : i32
      %dma_start3A_98 = tpu.memref_slice %arg13[%dma_start3A_96, %dma_start3A_97] : memref<2x51200xi32, #tpu.memory_space<vmem_shared>> -> memref<1x51200xi32, #tpu.memory_space<vmem_shared>>
      %dma_start3A_99 = tpu.memref_squeeze %dma_start3A_98 : memref<1x51200xi32, #tpu.memory_space<vmem_shared>> -> memref<51200xi32, #tpu.memory_space<vmem_shared>>
      tpu.enqueue_dma source(%arg6 : memref<51200xi32, #tpu.memory_space<hbm>>) target(%dma_start3A_99 : memref<51200xi32, #tpu.memory_space<vmem_shared>>) target_semaphore(%arg14 : memref<!tpu.dma_semaphore, #tpu.memory_space<semaphore_mem>>)
    } else {
    }
    %eq3A_67 = arith.constant 1 : i32
    %eq3A_68 = arith.cmpi eq, %arg0, %eq3A_67 : i32
    %eq3A_69 = arith.constant 1 : i32
    %eq3A_70 = arith.cmpi eq, %arg1, %eq3A_69 : i32
    %and3A_71 = arith.constant true
    %and3A_72 = arith.andi %eq3A_70, %and3A_71 : i1
    %and3A_73 = arith.andi %eq3A_68, %and3A_72 : i1
    %convert_element_type3A_74 = arith.extui %and3A_73 : i1 to i32
    %cond3A_75 = arith.constant 0 : i32
    %cond3A_76 = arith.cmpi ne, %convert_element_type3A_74, %cond3A_75 : i32
    scf.if %cond3A_76 {
      %dma_start3A_96 = arith.constant 1 : i32
      %dma_start3A_97 = arith.constant 0 : i32
      %dma_start3A_98 = tpu.memref_slice %arg13[%dma_start3A_96, %dma_start3A_97] : memref<2x51200xi32, #tpu.memory_space<vmem_shared>> -> memref<1x51200xi32, #tpu.memory_space<vmem_shared>>
      %dma_start3A_99 = tpu.memref_squeeze %dma_start3A_98 : memref<1x51200xi32, #tpu.memory_space<vmem_shared>> -> memref<51200xi32, #tpu.memory_space<vmem_shared>>
      tpu.enqueue_dma source(%arg7 : memref<51200xi32, #tpu.memory_space<hbm>>) target(%dma_start3A_99 : memref<51200xi32, #tpu.memory_space<vmem_shared>>) target_semaphore(%arg14 : memref<!tpu.dma_semaphore, #tpu.memory_space<semaphore_mem>>)
    } else {
    }
    %dma_start3A = tpu.memref_slice %arg3[%multiple_of3A_38] : memref<16384xi32, #tpu.memory_space<hbm>> -> memref<2048xi32, #tpu.memory_space<hbm>>
    %dma_start3A_77 = tpu.memref_slice %arg3[%multiple_of3A_38] : memref<16384xi32, #tpu.memory_space<hbm>> -> memref<2048xi32, #tpu.memory_space<hbm>>
    tpu.enqueue_dma source(%dma_start3A_77 : memref<2048xi32, #tpu.memory_space<hbm>>) target(%arg10 : memref<2048xi32, #tpu.memory_space<vmem>>) target_semaphore(%arg15 : memref<!tpu.dma_semaphore, #tpu.memory_space<semaphore_mem>>)
    %dma_start3A_78 = tpu.memref_slice %arg2[%multiple_of3A, %multiple_of3A_38] : memref<64x16384xf32, #tpu.memory_space<hbm>> -> memref<16x2048xf32, #tpu.memory_space<hbm>>
    %dma_start3A_79 = tpu.memref_slice %arg2[%multiple_of3A, %multiple_of3A_38] : memref<64x16384xf32, #tpu.memory_space<hbm>> -> memref<16x2048xf32, #tpu.memory_space<hbm>>
    tpu.enqueue_dma source(%dma_start3A_79 : memref<16x2048xf32, #tpu.memory_space<hbm>>) target(%arg11 : memref<16x2048xf32, #tpu.memory_space<vmem>>) target_semaphore(%arg16 : memref<!tpu.dma_semaphore, #tpu.memory_space<semaphore_mem>>)
    %lt3A_80 = arith.constant 2 : i32
    %lt3A_81 = arith.cmpi slt, %arg1, %lt3A_80 : i32
    %convert_element_type3A_82 = arith.extui %lt3A_81 : i1 to i32
    %cond3A_83 = arith.constant 0 : i32
    %cond3A_84 = arith.cmpi ne, %convert_element_type3A_82, %cond3A_83 : i32
    scf.if %cond3A_84 {
      %dma_wait3A_96 = arith.constant 0 : i32
      %dma_wait3A_97 = arith.constant 0 : i32
      %dma_wait3A_98 = tpu.memref_slice %arg13[%dma_wait3A_96, %dma_wait3A_97] : memref<2x51200xi32, #tpu.memory_space<vmem_shared>> -> memref<1x51200xi32, #tpu.memory_space<vmem_shared>>
      %dma_wait3A_99 = tpu.memref_squeeze %dma_wait3A_98 : memref<1x51200xi32, #tpu.memory_space<vmem_shared>> -> memref<51200xi32, #tpu.memory_space<vmem_shared>>
      tpu.wait_dma2 semaphore(%arg14 : memref<!tpu.dma_semaphore, #tpu.memory_space<semaphore_mem>>) src(%arg4 : memref<51200xi32, #tpu.memory_space<hbm>>) dst(%dma_wait3A_99 : memref<51200xi32, #tpu.memory_space<vmem_shared>>)
    } else {
    }
    %barrier3A = arith.constant 0 : index
    tpu.barrier barrier_id(%barrier3A)
    "tpu.region"() ({
      %run_scoped3A = tpu.sem_alloc : memref<!tpu.dma_semaphore, #tpu.memory_space<semaphore_mem>>
      %dma_start3A_96 = arith.constant 0 : i32
      %dma_start3A_97 = tpu.memref_slice %arg13[%select_n3A_7, %dma_start3A_96] : memref<2x51200xi32, #tpu.memory_space<vmem_shared>> -> memref<1x51200xi32, #tpu.memory_space<vmem_shared>>
      %dma_start3A_98 = tpu.memref_squeeze %dma_start3A_97 : memref<1x51200xi32, #tpu.memory_space<vmem_shared>> -> memref<51200xi32, #tpu.memory_space<vmem_shared>>
      %dma_start3A_99 = arith.constant 0 : i32
      %dma_start3A_100 = tpu.memref_slice %arg13[%select_n3A_7, %dma_start3A_99] : memref<2x51200xi32, #tpu.memory_space<vmem_shared>> -> memref<1x51200xi32, #tpu.memory_space<vmem_shared>>
      %dma_start3A_101 = tpu.memref_squeeze %dma_start3A_100 : memref<1x51200xi32, #tpu.memory_space<vmem_shared>> -> memref<51200xi32, #tpu.memory_space<vmem_shared>>
      tpu.enqueue_dma source(%dma_start3A_101 : memref<51200xi32, #tpu.memory_space<vmem_shared>>) target(%arg9 : memref<51200xi32, #tpu.memory_space<vmem>>) target_semaphore(%run_scoped3A : memref<!tpu.dma_semaphore, #tpu.memory_space<semaphore_mem>>)
      %dma_wait3A_102 = arith.constant 0 : i32
      %dma_wait3A_103 = tpu.memref_slice %arg13[%select_n3A_7, %dma_wait3A_102] : memref<2x51200xi32, #tpu.memory_space<vmem_shared>> -> memref<1x51200xi32, #tpu.memory_space<vmem_shared>>
      %dma_wait3A_104 = tpu.memref_squeeze %dma_wait3A_103 : memref<1x51200xi32, #tpu.memory_space<vmem_shared>> -> memref<51200xi32, #tpu.memory_space<vmem_shared>>
      %dma_wait3A_105 = arith.constant 0 : i32
      %dma_wait3A_106 = tpu.memref_slice %arg13[%select_n3A_7, %dma_wait3A_105] : memref<2x51200xi32, #tpu.memory_space<vmem_shared>> -> memref<1x51200xi32, #tpu.memory_space<vmem_shared>>
      %dma_wait3A_107 = tpu.memref_squeeze %dma_wait3A_106 : memref<1x51200xi32, #tpu.memory_space<vmem_shared>> -> memref<51200xi32, #tpu.memory_space<vmem_shared>>
      tpu.wait_dma2 semaphore(%run_scoped3A : memref<!tpu.dma_semaphore, #tpu.memory_space<semaphore_mem>>) src(%dma_wait3A_107 : memref<51200xi32, #tpu.memory_space<vmem_shared>>) dst(%arg9 : memref<51200xi32, #tpu.memory_space<vmem>>)
      tpu.yield
    }) : () -> ()
    %dma_wait3A = tpu.memref_slice %arg3[%multiple_of3A_38] : memref<16384xi32, #tpu.memory_space<hbm>> -> memref<2048xi32, #tpu.memory_space<hbm>>
    %dma_wait3A_85 = tpu.memref_slice %arg3[%multiple_of3A_38] : memref<16384xi32, #tpu.memory_space<hbm>> -> memref<2048xi32, #tpu.memory_space<hbm>>
    tpu.wait_dma2 semaphore(%arg15 : memref<!tpu.dma_semaphore, #tpu.memory_space<semaphore_mem>>) src(%dma_wait3A_85 : memref<2048xi32, #tpu.memory_space<hbm>>) dst(%arg10 : memref<2048xi32, #tpu.memory_space<vmem>>)
    %dma_wait3A_86 = tpu.memref_slice %arg2[%multiple_of3A, %multiple_of3A_38] : memref<64x16384xf32, #tpu.memory_space<hbm>> -> memref<16x2048xf32, #tpu.memory_space<hbm>>
    %dma_wait3A_87 = tpu.memref_slice %arg2[%multiple_of3A, %multiple_of3A_38] : memref<64x16384xf32, #tpu.memory_space<hbm>> -> memref<16x2048xf32, #tpu.memory_space<hbm>>
    tpu.wait_dma2 semaphore(%arg16 : memref<!tpu.dma_semaphore, #tpu.memory_space<semaphore_mem>>) src(%dma_wait3A_87 : memref<16x2048xf32, #tpu.memory_space<hbm>>) dst(%arg11 : memref<16x2048xf32, #tpu.memory_space<vmem>>)
    %broadcast_in_dim3A = arith.constant 0.000000e+00 : f32
    %broadcast_in_dim3A_88 = vector.broadcast %broadcast_in_dim3A : f32 to vector<16xf32>
    %parallel_loop3A = arith.constant 0 : i32
    %parallel_loop3A_89 = arith.constant 2048 : i32
    %parallel_loop3A_90 = arith.constant 16 : i32
    %parallel_loop3A_91:4 = scf.for %parallel_loop3A_96 = %parallel_loop3A to %parallel_loop3A_89 step %parallel_loop3A_90 iter_args(%parallel_loop3A_97 = %broadcast_in_dim3A_88, %parallel_loop3A_98 = %broadcast_in_dim3A_88, %parallel_loop3A_99 = %broadcast_in_dim3A_88, %parallel_loop3A_100 = %broadcast_in_dim3A_88) -> (vector<16xf32>, vector<16xf32>, vector<16xf32>, vector<16xf32>)  : i32 {
      %parallel_loop3A_101 = arith.index_cast %parallel_loop3A_96 : i32 to index
      %parallel_loop3A_102 = tpu.vector_load %arg10[%parallel_loop3A_101] {strides = array<i32>} : memref<2048xi32, #tpu.memory_space<vmem>>, vector<16xi32>,
      %parallel_loop3A_103 = arith.constant 51200 : i32
      %parallel_loop3A_104 = vector.broadcast %parallel_loop3A_103 : i32 to vector<16xi32>
      %parallel_loop3A_105 = arith.cmpi slt, %parallel_loop3A_102, %parallel_loop3A_104 : vector<16xi32>
      %parallel_loop3A_106 = arith.constant 51200 : i32
      %parallel_loop3A_107 = vector.broadcast %parallel_loop3A_106 : i32 to vector<16xi32>
      %parallel_loop3A_108 = arith.subi %parallel_loop3A_102, %parallel_loop3A_107 : vector<16xi32>
      %parallel_loop3A_109 = arith.select %parallel_loop3A_105, %parallel_loop3A_102, %parallel_loop3A_108 : vector<16xi1>, vector<16xi32>
      %parallel_loop3A_110 = tpu.vector_load_idx %arg9[%parallel_loop3A_109] : memref<51200xi32, #tpu.memory_space<vmem>>[vector<16xi32>], vector<16xi32>,
      %parallel_loop3A_111 = arith.constant 16 : i32
      %parallel_loop3A_112 = arith.constant 0 : i32
      %parallel_loop3A_113 = vector.broadcast %parallel_loop3A_111 : i32 to vector<16xi32>
      %parallel_loop3A_114 = vector.broadcast %parallel_loop3A_112 : i32 to vector<16xi32>
      %parallel_loop3A_115 = arith.select %parallel_loop3A_105, %parallel_loop3A_113, %parallel_loop3A_114 : vector<16xi1>, vector<16xi32>
      %parallel_loop3A_116 = arith.shli %parallel_loop3A_110, %parallel_loop3A_115 : vector<16xi32>
      %parallel_loop3A_117 = arith.constant 15 : i32
      %parallel_loop3A_118 = vector.broadcast %parallel_loop3A_117 : i32 to vector<16xi32>
      %parallel_loop3A_119 = arith.shli %parallel_loop3A_116, %parallel_loop3A_118 : vector<16xi32>
      %parallel_loop3A_120 = arith.constant 0 : i32
      %parallel_loop3A_121 = vector.broadcast %parallel_loop3A_120 : i32 to vector<16xi32>
      %parallel_loop3A_122 = arith.cmpi slt, %parallel_loop3A_119, %parallel_loop3A_121 : vector<16xi32>
      %parallel_loop3A_123 = arith.constant -1.000000e+00 : f32
      %parallel_loop3A_124 = arith.constant 1.000000e+00 : f32
      %parallel_loop3A_125 = vector.broadcast %parallel_loop3A_123 : f32 to vector<16xf32>
      %parallel_loop3A_126 = vector.broadcast %parallel_loop3A_124 : f32 to vector<16xf32>
      %parallel_loop3A_127 = arith.select %parallel_loop3A_122, %parallel_loop3A_125, %parallel_loop3A_126 : vector<16xi1>, vector<16xf32>
      %parallel_loop3A_128 = arith.constant 0 : i32
      %parallel_loop3A_129 = arith.index_cast %parallel_loop3A_128 : i32 to index
      %parallel_loop3A_130 = arith.index_cast %parallel_loop3A_96 : i32 to index
      %parallel_loop3A_131 = tpu.vector_load %arg11[%parallel_loop3A_129, %parallel_loop3A_130] {strides = array<i32>} : memref<16x2048xf32, #tpu.memory_space<vmem>>, vector<16xf32>,
      %parallel_loop3A_132 = arith.subf %parallel_loop3A_131, %parallel_loop3A_127 : vector<16xf32>
      %parallel_loop3A_133 = arith.mulf %parallel_loop3A_132, %parallel_loop3A_132 : vector<16xf32>
      %parallel_loop3A_134 = arith.addf %parallel_loop3A_97, %parallel_loop3A_133 : vector<16xf32>
      %parallel_loop3A_135 = arith.constant 14 : i32
      %parallel_loop3A_136 = vector.broadcast %parallel_loop3A_135 : i32 to vector<16xi32>
      %parallel_loop3A_137 = arith.shli %parallel_loop3A_116, %parallel_loop3A_136 : vector<16xi32>
      %parallel_loop3A_138 = arith.constant 0 : i32
      %parallel_loop3A_139 = vector.broadcast %parallel_loop3A_138 : i32 to vector<16xi32>
      %parallel_loop3A_140 = arith.cmpi slt, %parallel_loop3A_137, %parallel_loop3A_139 : vector<16xi32>
      %parallel_loop3A_141 = arith.constant -1.000000e+00 : f32
      %parallel_loop3A_142 = arith.constant 1.000000e+00 : f32
      %parallel_loop3A_143 = vector.broadcast %parallel_loop3A_141 : f32 to vector<16xf32>
      %parallel_loop3A_144 = vector.broadcast %parallel_loop3A_142 : f32 to vector<16xf32>
      %parallel_loop3A_145 = arith.select %parallel_loop3A_140, %parallel_loop3A_143, %parallel_loop3A_144 : vector<16xi1>, vector<16xf32>
      %parallel_loop3A_146 = arith.constant 1 : i32
      %parallel_loop3A_147 = arith.index_cast %parallel_loop3A_146 : i32 to index
      %parallel_loop3A_148 = arith.index_cast %parallel_loop3A_96 : i32 to index
      %parallel_loop3A_149 = tpu.vector_load %arg11[%parallel_loop3A_147, %parallel_loop3A_148] {strides = array<i32>} : memref<16x2048xf32, #tpu.memory_space<vmem>>, vector<16xf32>,
      %parallel_loop3A_150 = arith.subf %parallel_loop3A_149, %parallel_loop3A_145 : vector<16xf32>
      %parallel_loop3A_151 = arith.mulf %parallel_loop3A_150, %parallel_loop3A_150 : vector<16xf32>
      %parallel_loop3A_152 = arith.addf %parallel_loop3A_98, %parallel_loop3A_151 : vector<16xf32>
      %parallel_loop3A_153 = arith.constant 13 : i32
      %parallel_loop3A_154 = vector.broadcast %parallel_loop3A_153 : i32 to vector<16xi32>
      %parallel_loop3A_155 = arith.shli %parallel_loop3A_116, %parallel_loop3A_154 : vector<16xi32>
      %parallel_loop3A_156 = arith.constant 0 : i32
      %parallel_loop3A_157 = vector.broadcast %parallel_loop3A_156 : i32 to vector<16xi32>
      %parallel_loop3A_158 = arith.cmpi slt, %parallel_loop3A_155, %parallel_loop3A_157 : vector<16xi32>
      %parallel_loop3A_159 = arith.constant -1.000000e+00 : f32
      %parallel_loop3A_160 = arith.constant 1.000000e+00 : f32
      %parallel_loop3A_161 = vector.broadcast %parallel_loop3A_159 : f32 to vector<16xf32>
      %parallel_loop3A_162 = vector.broadcast %parallel_loop3A_160 : f32 to vector<16xf32>
      %parallel_loop3A_163 = arith.select %parallel_loop3A_158, %parallel_loop3A_161, %parallel_loop3A_162 : vector<16xi1>, vector<16xf32>
      %parallel_loop3A_164 = arith.constant 2 : i32
      %parallel_loop3A_165 = arith.index_cast %parallel_loop3A_164 : i32 to index
      %parallel_loop3A_166 = arith.index_cast %parallel_loop3A_96 : i32 to index
      %parallel_loop3A_167 = tpu.vector_load %arg11[%parallel_loop3A_165, %parallel_loop3A_166] {strides = array<i32>} : memref<16x2048xf32, #tpu.memory_space<vmem>>, vector<16xf32>,
      %parallel_loop3A_168 = arith.subf %parallel_loop3A_167, %parallel_loop3A_163 : vector<16xf32>
      %parallel_loop3A_169 = arith.mulf %parallel_loop3A_168, %parallel_loop3A_168 : vector<16xf32>
      %parallel_loop3A_170 = arith.addf %parallel_loop3A_99, %parallel_loop3A_169 : vector<16xf32>
      %parallel_loop3A_171 = arith.constant 12 : i32
      %parallel_loop3A_172 = vector.broadcast %parallel_loop3A_171 : i32 to vector<16xi32>
      %parallel_loop3A_173 = arith.shli %parallel_loop3A_116, %parallel_loop3A_172 : vector<16xi32>
      %parallel_loop3A_174 = arith.constant 0 : i32
      %parallel_loop3A_175 = vector.broadcast %parallel_loop3A_174 : i32 to vector<16xi32>
      %parallel_loop3A_176 = arith.cmpi slt, %parallel_loop3A_173, %parallel_loop3A_175 : vector<16xi32>
      %parallel_loop3A_177 = arith.constant -1.000000e+00 : f32
      %parallel_loop3A_178 = arith.constant 1.000000e+00 : f32
      %parallel_loop3A_179 = vector.broadcast %parallel_loop3A_177 : f32 to vector<16xf32>
      %parallel_loop3A_180 = vector.broadcast %parallel_loop3A_178 : f32 to vector<16xf32>
      %parallel_loop3A_181 = arith.select %parallel_loop3A_176, %parallel_loop3A_179, %parallel_loop3A_180 : vector<16xi1>, vector<16xf32>
      %parallel_loop3A_182 = arith.constant 3 : i32
      %parallel_loop3A_183 = arith.index_cast %parallel_loop3A_182 : i32 to index
      %parallel_loop3A_184 = arith.index_cast %parallel_loop3A_96 : i32 to index
      %parallel_loop3A_185 = tpu.vector_load %arg11[%parallel_loop3A_183, %parallel_loop3A_184] {strides = array<i32>} : memref<16x2048xf32, #tpu.memory_space<vmem>>, vector<16xf32>,
      %parallel_loop3A_186 = arith.subf %parallel_loop3A_185, %parallel_loop3A_181 : vector<16xf32>
      %parallel_loop3A_187 = arith.mulf %parallel_loop3A_186, %parallel_loop3A_186 : vector<16xf32>
      %parallel_loop3A_188 = arith.addf %parallel_loop3A_100, %parallel_loop3A_187 : vector<16xf32>
      %parallel_loop3A_189 = arith.constant 11 : i32
      %parallel_loop3A_190 = vector.broadcast %parallel_loop3A_189 : i32 to vector<16xi32>
      %parallel_loop3A_191 = arith.shli %parallel_loop3A_116, %parallel_loop3A_190 : vector<16xi32>
      %parallel_loop3A_192 = arith.constant 0 : i32
      %parallel_loop3A_193 = vector.broadcast %parallel_loop3A_192 : i32 to vector<16xi32>
      %parallel_loop3A_194 = arith.cmpi slt, %parallel_loop3A_191, %parallel_loop3A_193 : vector<16xi32>
      %parallel_loop3A_195 = arith.constant -1.000000e+00 : f32
      %parallel_loop3A_196 = arith.constant 1.000000e+00 : f32
      %parallel_loop3A_197 = vector.broadcast %parallel_loop3A_195 : f32 to vector<16xf32>
      %parallel_loop3A_198 = vector.broadcast %parallel_loop3A_196 : f32 to vector<16xf32>
      %parallel_loop3A_199 = arith.select %parallel_loop3A_194, %parallel_loop3A_197, %parallel_loop3A_198 : vector<16xi1>, vector<16xf32>
      %parallel_loop3A_200 = arith.constant 4 : i32
      %parallel_loop3A_201 = arith.index_cast %parallel_loop3A_200 : i32 to index
      %parallel_loop3A_202 = arith.index_cast %parallel_loop3A_96 : i32 to index
      %parallel_loop3A_203 = tpu.vector_load %arg11[%parallel_loop3A_201, %parallel_loop3A_202] {strides = array<i32>} : memref<16x2048xf32, #tpu.memory_space<vmem>>, vector<16xf32>,
      %parallel_loop3A_204 = arith.subf %parallel_loop3A_203, %parallel_loop3A_199 : vector<16xf32>
      %parallel_loop3A_205 = arith.mulf %parallel_loop3A_204, %parallel_loop3A_204 : vector<16xf32>
      %parallel_loop3A_206 = arith.addf %parallel_loop3A_134, %parallel_loop3A_205 : vector<16xf32>
      %parallel_loop3A_207 = arith.constant 10 : i32
      %parallel_loop3A_208 = vector.broadcast %parallel_loop3A_207 : i32 to vector<16xi32>
      %parallel_loop3A_209 = arith.shli %parallel_loop3A_116, %parallel_loop3A_208 : vector<16xi32>
      %parallel_loop3A_210 = arith.constant 0 : i32
      %parallel_loop3A_211 = vector.broadcast %parallel_loop3A_210 : i32 to vector<16xi32>
      %parallel_loop3A_212 = arith.cmpi slt, %parallel_loop3A_209, %parallel_loop3A_211 : vector<16xi32>
      %parallel_loop3A_213 = arith.constant -1.000000e+00 : f32
      %parallel_loop3A_214 = arith.constant 1.000000e+00 : f32
      %parallel_loop3A_215 = vector.broadcast %parallel_loop3A_213 : f32 to vector<16xf32>
      %parallel_loop3A_216 = vector.broadcast %parallel_loop3A_214 : f32 to vector<16xf32>
      %parallel_loop3A_217 = arith.select %parallel_loop3A_212, %parallel_loop3A_215, %parallel_loop3A_216 : vector<16xi1>, vector<16xf32>
      %parallel_loop3A_218 = arith.constant 5 : i32
      %parallel_loop3A_219 = arith.index_cast %parallel_loop3A_218 : i32 to index
      %parallel_loop3A_220 = arith.index_cast %parallel_loop3A_96 : i32 to index
      %parallel_loop3A_221 = tpu.vector_load %arg11[%parallel_loop3A_219, %parallel_loop3A_220] {strides = array<i32>} : memref<16x2048xf32, #tpu.memory_space<vmem>>, vector<16xf32>,
      %parallel_loop3A_222 = arith.subf %parallel_loop3A_221, %parallel_loop3A_217 : vector<16xf32>
      %parallel_loop3A_223 = arith.mulf %parallel_loop3A_222, %parallel_loop3A_222 : vector<16xf32>
      %parallel_loop3A_224 = arith.addf %parallel_loop3A_152, %parallel_loop3A_223 : vector<16xf32>
      %parallel_loop3A_225 = arith.constant 9 : i32
      %parallel_loop3A_226 = vector.broadcast %parallel_loop3A_225 : i32 to vector<16xi32>
      %parallel_loop3A_227 = arith.shli %parallel_loop3A_116, %parallel_loop3A_226 : vector<16xi32>
      %parallel_loop3A_228 = arith.constant 0 : i32
      %parallel_loop3A_229 = vector.broadcast %parallel_loop3A_228 : i32 to vector<16xi32>
      %parallel_loop3A_230 = arith.cmpi slt, %parallel_loop3A_227, %parallel_loop3A_229 : vector<16xi32>
      %parallel_loop3A_231 = arith.constant -1.000000e+00 : f32
      %parallel_loop3A_232 = arith.constant 1.000000e+00 : f32
      %parallel_loop3A_233 = vector.broadcast %parallel_loop3A_231 : f32 to vector<16xf32>
      %parallel_loop3A_234 = vector.broadcast %parallel_loop3A_232 : f32 to vector<16xf32>
      %parallel_loop3A_235 = arith.select %parallel_loop3A_230, %parallel_loop3A_233, %parallel_loop3A_234 : vector<16xi1>, vector<16xf32>
      %parallel_loop3A_236 = arith.constant 6 : i32
      %parallel_loop3A_237 = arith.index_cast %parallel_loop3A_236 : i32 to index
      %parallel_loop3A_238 = arith.index_cast %parallel_loop3A_96 : i32 to index
      %parallel_loop3A_239 = tpu.vector_load %arg11[%parallel_loop3A_237, %parallel_loop3A_238] {strides = array<i32>} : memref<16x2048xf32, #tpu.memory_space<vmem>>, vector<16xf32>,
      %parallel_loop3A_240 = arith.subf %parallel_loop3A_239, %parallel_loop3A_235 : vector<16xf32>
      %parallel_loop3A_241 = arith.mulf %parallel_loop3A_240, %parallel_loop3A_240 : vector<16xf32>
      %parallel_loop3A_242 = arith.addf %parallel_loop3A_170, %parallel_loop3A_241 : vector<16xf32>
      %parallel_loop3A_243 = arith.constant 8 : i32
      %parallel_loop3A_244 = vector.broadcast %parallel_loop3A_243 : i32 to vector<16xi32>
      %parallel_loop3A_245 = arith.shli %parallel_loop3A_116, %parallel_loop3A_244 : vector<16xi32>
      %parallel_loop3A_246 = arith.constant 0 : i32
      %parallel_loop3A_247 = vector.broadcast %parallel_loop3A_246 : i32 to vector<16xi32>
      %parallel_loop3A_248 = arith.cmpi slt, %parallel_loop3A_245, %parallel_loop3A_247 : vector<16xi32>
      %parallel_loop3A_249 = arith.constant -1.000000e+00 : f32
      %parallel_loop3A_250 = arith.constant 1.000000e+00 : f32
      %parallel_loop3A_251 = vector.broadcast %parallel_loop3A_249 : f32 to vector<16xf32>
      %parallel_loop3A_252 = vector.broadcast %parallel_loop3A_250 : f32 to vector<16xf32>
      %parallel_loop3A_253 = arith.select %parallel_loop3A_248, %parallel_loop3A_251, %parallel_loop3A_252 : vector<16xi1>, vector<16xf32>
      %parallel_loop3A_254 = arith.constant 7 : i32
      %parallel_loop3A_255 = arith.index_cast %parallel_loop3A_254 : i32 to index
      %parallel_loop3A_256 = arith.index_cast %parallel_loop3A_96 : i32 to index
      %parallel_loop3A_257 = tpu.vector_load %arg11[%parallel_loop3A_255, %parallel_loop3A_256] {strides = array<i32>} : memref<16x2048xf32, #tpu.memory_space<vmem>>, vector<16xf32>,
      %parallel_loop3A_258 = arith.subf %parallel_loop3A_257, %parallel_loop3A_253 : vector<16xf32>
      %parallel_loop3A_259 = arith.mulf %parallel_loop3A_258, %parallel_loop3A_258 : vector<16xf32>
      %parallel_loop3A_260 = arith.addf %parallel_loop3A_188, %parallel_loop3A_259 : vector<16xf32>
      %parallel_loop3A_261 = arith.constant 7 : i32
      %parallel_loop3A_262 = vector.broadcast %parallel_loop3A_261 : i32 to vector<16xi32>
      %parallel_loop3A_263 = arith.shli %parallel_loop3A_116, %parallel_loop3A_262 : vector<16xi32>
      %parallel_loop3A_264 = arith.constant 0 : i32
      %parallel_loop3A_265 = vector.broadcast %parallel_loop3A_264 : i32 to vector<16xi32>
      %parallel_loop3A_266 = arith.cmpi slt, %parallel_loop3A_263, %parallel_loop3A_265 : vector<16xi32>
      %parallel_loop3A_267 = arith.constant -1.000000e+00 : f32
      %parallel_loop3A_268 = arith.constant 1.000000e+00 : f32
      %parallel_loop3A_269 = vector.broadcast %parallel_loop3A_267 : f32 to vector<16xf32>
      %parallel_loop3A_270 = vector.broadcast %parallel_loop3A_268 : f32 to vector<16xf32>
      %parallel_loop3A_271 = arith.select %parallel_loop3A_266, %parallel_loop3A_269, %parallel_loop3A_270 : vector<16xi1>, vector<16xf32>
      %parallel_loop3A_272 = arith.constant 8 : i32
      %parallel_loop3A_273 = arith.index_cast %parallel_loop3A_272 : i32 to index
      %parallel_loop3A_274 = arith.index_cast %parallel_loop3A_96 : i32 to index
      %parallel_loop3A_275 = tpu.vector_load %arg11[%parallel_loop3A_273, %parallel_loop3A_274] {strides = array<i32>} : memref<16x2048xf32, #tpu.memory_space<vmem>>, vector<16xf32>,
      %parallel_loop3A_276 = arith.subf %parallel_loop3A_275, %parallel_loop3A_271 : vector<16xf32>
      %parallel_loop3A_277 = arith.mulf %parallel_loop3A_276, %parallel_loop3A_276 : vector<16xf32>
      %parallel_loop3A_278 = arith.addf %parallel_loop3A_206, %parallel_loop3A_277 : vector<16xf32>
      %parallel_loop3A_279 = arith.constant 6 : i32
      %parallel_loop3A_280 = vector.broadcast %parallel_loop3A_279 : i32 to vector<16xi32>
      %parallel_loop3A_281 = arith.shli %parallel_loop3A_116, %parallel_loop3A_280 : vector<16xi32>
      %parallel_loop3A_282 = arith.constant 0 : i32
      %parallel_loop3A_283 = vector.broadcast %parallel_loop3A_282 : i32 to vector<16xi32>
      %parallel_loop3A_284 = arith.cmpi slt, %parallel_loop3A_281, %parallel_loop3A_283 : vector<16xi32>
      %parallel_loop3A_285 = arith.constant -1.000000e+00 : f32
      %parallel_loop3A_286 = arith.constant 1.000000e+00 : f32
      %parallel_loop3A_287 = vector.broadcast %parallel_loop3A_285 : f32 to vector<16xf32>
      %parallel_loop3A_288 = vector.broadcast %parallel_loop3A_286 : f32 to vector<16xf32>
      %parallel_loop3A_289 = arith.select %parallel_loop3A_284, %parallel_loop3A_287, %parallel_loop3A_288 : vector<16xi1>, vector<16xf32>
      %parallel_loop3A_290 = arith.constant 9 : i32
      %parallel_loop3A_291 = arith.index_cast %parallel_loop3A_290 : i32 to index
      %parallel_loop3A_292 = arith.index_cast %parallel_loop3A_96 : i32 to index
      %parallel_loop3A_293 = tpu.vector_load %arg11[%parallel_loop3A_291, %parallel_loop3A_292] {strides = array<i32>} : memref<16x2048xf32, #tpu.memory_space<vmem>>, vector<16xf32>,
      %parallel_loop3A_294 = arith.subf %parallel_loop3A_293, %parallel_loop3A_289 : vector<16xf32>
      %parallel_loop3A_295 = arith.mulf %parallel_loop3A_294, %parallel_loop3A_294 : vector<16xf32>
      %parallel_loop3A_296 = arith.addf %parallel_loop3A_224, %parallel_loop3A_295 : vector<16xf32>
      %parallel_loop3A_297 = arith.constant 5 : i32
      %parallel_loop3A_298 = vector.broadcast %parallel_loop3A_297 : i32 to vector<16xi32>
      %parallel_loop3A_299 = arith.shli %parallel_loop3A_116, %parallel_loop3A_298 : vector<16xi32>
      %parallel_loop3A_300 = arith.constant 0 : i32
      %parallel_loop3A_301 = vector.broadcast %parallel_loop3A_300 : i32 to vector<16xi32>
      %parallel_loop3A_302 = arith.cmpi slt, %parallel_loop3A_299, %parallel_loop3A_301 : vector<16xi32>
      %parallel_loop3A_303 = arith.constant -1.000000e+00 : f32
      %parallel_loop3A_304 = arith.constant 1.000000e+00 : f32
      %parallel_loop3A_305 = vector.broadcast %parallel_loop3A_303 : f32 to vector<16xf32>
      %parallel_loop3A_306 = vector.broadcast %parallel_loop3A_304 : f32 to vector<16xf32>
      %parallel_loop3A_307 = arith.select %parallel_loop3A_302, %parallel_loop3A_305, %parallel_loop3A_306 : vector<16xi1>, vector<16xf32>
      %parallel_loop3A_308 = arith.constant 10 : i32
      %parallel_loop3A_309 = arith.index_cast %parallel_loop3A_308 : i32 to index
      %parallel_loop3A_310 = arith.index_cast %parallel_loop3A_96 : i32 to index
      %parallel_loop3A_311 = tpu.vector_load %arg11[%parallel_loop3A_309, %parallel_loop3A_310] {strides = array<i32>} : memref<16x2048xf32, #tpu.memory_space<vmem>>, vector<16xf32>,
      %parallel_loop3A_312 = arith.subf %parallel_loop3A_311, %parallel_loop3A_307 : vector<16xf32>
      %parallel_loop3A_313 = arith.mulf %parallel_loop3A_312, %parallel_loop3A_312 : vector<16xf32>
      %parallel_loop3A_314 = arith.addf %parallel_loop3A_242, %parallel_loop3A_313 : vector<16xf32>
      %parallel_loop3A_315 = arith.constant 4 : i32
      %parallel_loop3A_316 = vector.broadcast %parallel_loop3A_315 : i32 to vector<16xi32>
      %parallel_loop3A_317 = arith.shli %parallel_loop3A_116, %parallel_loop3A_316 : vector<16xi32>
      %parallel_loop3A_318 = arith.constant 0 : i32
      %parallel_loop3A_319 = vector.broadcast %parallel_loop3A_318 : i32 to vector<16xi32>
      %parallel_loop3A_320 = arith.cmpi slt, %parallel_loop3A_317, %parallel_loop3A_319 : vector<16xi32>
      %parallel_loop3A_321 = arith.constant -1.000000e+00 : f32
      %parallel_loop3A_322 = arith.constant 1.000000e+00 : f32
      %parallel_loop3A_323 = vector.broadcast %parallel_loop3A_321 : f32 to vector<16xf32>
      %parallel_loop3A_324 = vector.broadcast %parallel_loop3A_322 : f32 to vector<16xf32>
      %parallel_loop3A_325 = arith.select %parallel_loop3A_320, %parallel_loop3A_323, %parallel_loop3A_324 : vector<16xi1>, vector<16xf32>
      %parallel_loop3A_326 = arith.constant 11 : i32
      %parallel_loop3A_327 = arith.index_cast %parallel_loop3A_326 : i32 to index
      %parallel_loop3A_328 = arith.index_cast %parallel_loop3A_96 : i32 to index
      %parallel_loop3A_329 = tpu.vector_load %arg11[%parallel_loop3A_327, %parallel_loop3A_328] {strides = array<i32>} : memref<16x2048xf32, #tpu.memory_space<vmem>>, vector<16xf32>,
      %parallel_loop3A_330 = arith.subf %parallel_loop3A_329, %parallel_loop3A_325 : vector<16xf32>
      %parallel_loop3A_331 = arith.mulf %parallel_loop3A_330, %parallel_loop3A_330 : vector<16xf32>
      %parallel_loop3A_332 = arith.addf %parallel_loop3A_260, %parallel_loop3A_331 : vector<16xf32>
      %parallel_loop3A_333 = arith.constant 3 : i32
      %parallel_loop3A_334 = vector.broadcast %parallel_loop3A_333 : i32 to vector<16xi32>
      %parallel_loop3A_335 = arith.shli %parallel_loop3A_116, %parallel_loop3A_334 : vector<16xi32>
      %parallel_loop3A_336 = arith.constant 0 : i32
      %parallel_loop3A_337 = vector.broadcast %parallel_loop3A_336 : i32 to vector<16xi32>
      %parallel_loop3A_338 = arith.cmpi slt, %parallel_loop3A_335, %parallel_loop3A_337 : vector<16xi32>
      %parallel_loop3A_339 = arith.constant -1.000000e+00 : f32
      %parallel_loop3A_340 = arith.constant 1.000000e+00 : f32
      %parallel_loop3A_341 = vector.broadcast %parallel_loop3A_339 : f32 to vector<16xf32>
      %parallel_loop3A_342 = vector.broadcast %parallel_loop3A_340 : f32 to vector<16xf32>
      %parallel_loop3A_343 = arith.select %parallel_loop3A_338, %parallel_loop3A_341, %parallel_loop3A_342 : vector<16xi1>, vector<16xf32>
      %parallel_loop3A_344 = arith.constant 12 : i32
      %parallel_loop3A_345 = arith.index_cast %parallel_loop3A_344 : i32 to index
      %parallel_loop3A_346 = arith.index_cast %parallel_loop3A_96 : i32 to index
      %parallel_loop3A_347 = tpu.vector_load %arg11[%parallel_loop3A_345, %parallel_loop3A_346] {strides = array<i32>} : memref<16x2048xf32, #tpu.memory_space<vmem>>, vector<16xf32>,
      %parallel_loop3A_348 = arith.subf %parallel_loop3A_347, %parallel_loop3A_343 : vector<16xf32>
      %parallel_loop3A_349 = arith.mulf %parallel_loop3A_348, %parallel_loop3A_348 : vector<16xf32>
      %parallel_loop3A_350 = arith.addf %parallel_loop3A_278, %parallel_loop3A_349 : vector<16xf32>
      %parallel_loop3A_351 = arith.constant 2 : i32
      %parallel_loop3A_352 = vector.broadcast %parallel_loop3A_351 : i32 to vector<16xi32>
      %parallel_loop3A_353 = arith.shli %parallel_loop3A_116, %parallel_loop3A_352 : vector<16xi32>
      %parallel_loop3A_354 = arith.constant 0 : i32
      %parallel_loop3A_355 = vector.broadcast %parallel_loop3A_354 : i32 to vector<16xi32>
      %parallel_loop3A_356 = arith.cmpi slt, %parallel_loop3A_353, %parallel_loop3A_355 : vector<16xi32>
      %parallel_loop3A_357 = arith.constant -1.000000e+00 : f32
      %parallel_loop3A_358 = arith.constant 1.000000e+00 : f32
      %parallel_loop3A_359 = vector.broadcast %parallel_loop3A_357 : f32 to vector<16xf32>
      %parallel_loop3A_360 = vector.broadcast %parallel_loop3A_358 : f32 to vector<16xf32>
      %parallel_loop3A_361 = arith.select %parallel_loop3A_356, %parallel_loop3A_359, %parallel_loop3A_360 : vector<16xi1>, vector<16xf32>
      %parallel_loop3A_362 = arith.constant 13 : i32
      %parallel_loop3A_363 = arith.index_cast %parallel_loop3A_362 : i32 to index
      %parallel_loop3A_364 = arith.index_cast %parallel_loop3A_96 : i32 to index
      %parallel_loop3A_365 = tpu.vector_load %arg11[%parallel_loop3A_363, %parallel_loop3A_364] {strides = array<i32>} : memref<16x2048xf32, #tpu.memory_space<vmem>>, vector<16xf32>,
      %parallel_loop3A_366 = arith.subf %parallel_loop3A_365, %parallel_loop3A_361 : vector<16xf32>
      %parallel_loop3A_367 = arith.mulf %parallel_loop3A_366, %parallel_loop3A_366 : vector<16xf32>
      %parallel_loop3A_368 = arith.addf %parallel_loop3A_296, %parallel_loop3A_367 : vector<16xf32>
      %parallel_loop3A_369 = arith.constant 1 : i32
      %parallel_loop3A_370 = vector.broadcast %parallel_loop3A_369 : i32 to vector<16xi32>
      %parallel_loop3A_371 = arith.shli %parallel_loop3A_116, %parallel_loop3A_370 : vector<16xi32>
      %parallel_loop3A_372 = arith.constant 0 : i32
      %parallel_loop3A_373 = vector.broadcast %parallel_loop3A_372 : i32 to vector<16xi32>
      %parallel_loop3A_374 = arith.cmpi slt, %parallel_loop3A_371, %parallel_loop3A_373 : vector<16xi32>
      %parallel_loop3A_375 = arith.constant -1.000000e+00 : f32
      %parallel_loop3A_376 = arith.constant 1.000000e+00 : f32
      %parallel_loop3A_377 = vector.broadcast %parallel_loop3A_375 : f32 to vector<16xf32>
      %parallel_loop3A_378 = vector.broadcast %parallel_loop3A_376 : f32 to vector<16xf32>
      %parallel_loop3A_379 = arith.select %parallel_loop3A_374, %parallel_loop3A_377, %parallel_loop3A_378 : vector<16xi1>, vector<16xf32>
      %parallel_loop3A_380 = arith.constant 14 : i32
      %parallel_loop3A_381 = arith.index_cast %parallel_loop3A_380 : i32 to index
      %parallel_loop3A_382 = arith.index_cast %parallel_loop3A_96 : i32 to index
      %parallel_loop3A_383 = tpu.vector_load %arg11[%parallel_loop3A_381, %parallel_loop3A_382] {strides = array<i32>} : memref<16x2048xf32, #tpu.memory_space<vmem>>, vector<16xf32>,
      %parallel_loop3A_384 = arith.subf %parallel_loop3A_383, %parallel_loop3A_379 : vector<16xf32>
      %parallel_loop3A_385 = arith.mulf %parallel_loop3A_384, %parallel_loop3A_384 : vector<16xf32>
      %parallel_loop3A_386 = arith.addf %parallel_loop3A_314, %parallel_loop3A_385 : vector<16xf32>
      %parallel_loop3A_387 = arith.constant 0 : i32
      %parallel_loop3A_388 = vector.broadcast %parallel_loop3A_387 : i32 to vector<16xi32>
      %parallel_loop3A_389 = arith.shli %parallel_loop3A_116, %parallel_loop3A_388 : vector<16xi32>
      %parallel_loop3A_390 = arith.constant 0 : i32
      %parallel_loop3A_391 = vector.broadcast %parallel_loop3A_390 : i32 to vector<16xi32>
      %parallel_loop3A_392 = arith.cmpi slt, %parallel_loop3A_389, %parallel_loop3A_391 : vector<16xi32>
      %parallel_loop3A_393 = arith.constant -1.000000e+00 : f32
      %parallel_loop3A_394 = arith.constant 1.000000e+00 : f32
      %parallel_loop3A_395 = vector.broadcast %parallel_loop3A_393 : f32 to vector<16xf32>
      %parallel_loop3A_396 = vector.broadcast %parallel_loop3A_394 : f32 to vector<16xf32>
      %parallel_loop3A_397 = arith.select %parallel_loop3A_392, %parallel_loop3A_395, %parallel_loop3A_396 : vector<16xi1>, vector<16xf32>
      %parallel_loop3A_398 = arith.constant 15 : i32
      %parallel_loop3A_399 = arith.index_cast %parallel_loop3A_398 : i32 to index
      %parallel_loop3A_400 = arith.index_cast %parallel_loop3A_96 : i32 to index
      %parallel_loop3A_401 = tpu.vector_load %arg11[%parallel_loop3A_399, %parallel_loop3A_400] {strides = array<i32>} : memref<16x2048xf32, #tpu.memory_space<vmem>>, vector<16xf32>,
      %parallel_loop3A_402 = arith.subf %parallel_loop3A_401, %parallel_loop3A_397 : vector<16xf32>
      %parallel_loop3A_403 = arith.mulf %parallel_loop3A_402, %parallel_loop3A_402 : vector<16xf32>
      %parallel_loop3A_404 = arith.addf %parallel_loop3A_332, %parallel_loop3A_403 : vector<16xf32>
      scf.yield %parallel_loop3A_350, %parallel_loop3A_368, %parallel_loop3A_386, %parallel_loop3A_404 : vector<16xf32>, vector<16xf32>, vector<16xf32>, vector<16xf32>
    } {sc.loop_unroll_factor = 1 : i64, sc.parallel_access}
    %add3A_92 = arith.addf %parallel_loop3A_91#0, %parallel_loop3A_91#1 : vector<16xf32>
    %add3A_93 = arith.addf %parallel_loop3A_91#2, %parallel_loop3A_91#3 : vector<16xf32>
    %add3A_94 = arith.addf %add3A_92, %add3A_93 : vector<16xf32>
    %swap3A = arith.constant 0 : index
    %swap3A_95 = tpu.vector_load %arg12[%swap3A] {strides = array<i32>} : memref<16xf32, #tpu.memory_space<vmem>>, vector<16xf32>,
    tpu.vector_store %arg12[%swap3A], %add3A_94 {strides = array<i32>} : memref<16xf32, #tpu.memory_space<vmem>>, vector<16xf32>,
    "tpu.region"() ({
      %run_scoped3A = tpu.sem_alloc : memref<!tpu.dma_semaphore, #tpu.memory_space<semaphore_mem>>
      %dma_start3A_96 = arith.constant 0 : i32
      %dma_start3A_97 = tpu.memref_slice %arg8[%add3A_30, %dma_start3A_96] : memref<32x16xf32, #tpu.memory_space<hbm>> -> memref<1x16xf32, #tpu.memory_space<hbm>>
      %dma_start3A_98 = tpu.memref_squeeze %dma_start3A_97 : memref<1x16xf32, #tpu.memory_space<hbm>> -> memref<16xf32, #tpu.memory_space<hbm>>
      %dma_start3A_99 = arith.constant 0 : i32
      %dma_start3A_100 = tpu.memref_slice %arg8[%add3A_30, %dma_start3A_99] : memref<32x16xf32, #tpu.memory_space<hbm>> -> memref<1x16xf32, #tpu.memory_space<hbm>>
      %dma_start3A_101 = tpu.memref_squeeze %dma_start3A_100 : memref<1x16xf32, #tpu.memory_space<hbm>> -> memref<16xf32, #tpu.memory_space<hbm>>
      tpu.enqueue_dma source(%arg12 : memref<16xf32, #tpu.memory_space<vmem>>) target(%dma_start3A_101 : memref<16xf32, #tpu.memory_space<hbm>>) target_semaphore(%run_scoped3A : memref<!tpu.dma_semaphore, #tpu.memory_space<semaphore_mem>>)
      %dma_wait3A_102 = arith.constant 0 : i32
      %dma_wait3A_103 = tpu.memref_slice %arg8[%add3A_30, %dma_wait3A_102] : memref<32x16xf32, #tpu.memory_space<hbm>> -> memref<1x16xf32, #tpu.memory_space<hbm>>
      %dma_wait3A_104 = tpu.memref_squeeze %dma_wait3A_103 : memref<1x16xf32, #tpu.memory_space<hbm>> -> memref<16xf32, #tpu.memory_space<hbm>>
      %dma_wait3A_105 = arith.constant 0 : i32
      %dma_wait3A_106 = tpu.memref_slice %arg8[%add3A_30, %dma_wait3A_105] : memref<32x16xf32, #tpu.memory_space<hbm>> -> memref<1x16xf32, #tpu.memory_space<hbm>>
      %dma_wait3A_107 = tpu.memref_squeeze %dma_wait3A_106 : memref<1x16xf32, #tpu.memory_space<hbm>> -> memref<16xf32, #tpu.memory_space<hbm>>
      tpu.wait_dma2 semaphore(%run_scoped3A : memref<!tpu.dma_semaphore, #tpu.memory_space<semaphore_mem>>) src(%arg12 : memref<16xf32, #tpu.memory_space<vmem>>) dst(%dma_wait3A_107 : memref<16xf32, #tpu.memory_space<hbm>>)
      tpu.yield
    }) : () -> ()
    return
  }
}

module attributes {stable_mosaic.version = 14 : i64} {
  func.func @_pack_body(%arg0: i32, %arg1: memref<64x10240xf32, #tpu.memory_space<vmem>>, %arg2: memref<64x10240xf32, #tpu.memory_space<vmem>>, %arg3: memref<10240xi32, #tpu.memory_space<vmem>>, %arg4: memref<10240xi32, #tpu.memory_space<vmem>>, %arg5: memref<10240xi32, #tpu.memory_space<vmem>>, %arg6: memref<10240xi32, #tpu.memory_space<vmem>>) attributes {dimension_semantics = [#tpu.dimension_semantics<arbitrary>], iteration_bounds = array<i64: 5>, scalar_prefetch = 0 : i64, scratch_operands = 0 : i64, tpu.core_type = #tpu.core_type<tc>, window_params = [{transform_indices = @transform_0, window_bounds = array<i64: 64, 10240>}, {transform_indices = @transform_1, window_bounds = array<i64: 64, 10240>}, {transform_indices = @transform_2, window_bounds = array<i64: 10240>}, {transform_indices = @transform_3, window_bounds = array<i64: 10240>}, {transform_indices = @transform_4, window_bounds = array<i64: 10240>}, {transform_indices = @transform_5, window_bounds = array<i64: 10240>}]} {
    %iota3A = tpu.iota {dimensions = array<i32: 1>} : vector<4x64xi32>
    %iota3A_0 = tpu.iota {dimensions = array<i32: 0>} : vector<4x64xi32>
    %mul3A = arith.constant 16 : i32
    %mul3A_1 = vector.broadcast %mul3A : i32 to vector<4x64xi32>
    %mul3A_2 = arith.muli %iota3A_0, %mul3A_1 : vector<4x64xi32>
    %ge3A = arith.cmpi sge, %iota3A, %mul3A_2 : vector<4x64xi32>
    %add3A = arith.constant 1 : i32
    %add3A_3 = vector.broadcast %add3A : i32 to vector<4x64xi32>
    %add3A_4 = arith.addi %iota3A_0, %add3A_3 : vector<4x64xi32>
    %mul3A_5 = arith.constant 16 : i32
    %mul3A_6 = vector.broadcast %mul3A_5 : i32 to vector<4x64xi32>
    %mul3A_7 = arith.muli %add3A_4, %mul3A_6 : vector<4x64xi32>
    %lt3A = arith.cmpi slt, %iota3A, %mul3A_7 : vector<4x64xi32>
    %and3A = arith.andi %ge3A, %lt3A : vector<4x64xi1>
    %jit3A = arith.constant 16 : i32
    %eq3A = arith.constant 0 : i32
    %eq3A_8 = arith.cmpi eq, %jit3A, %eq3A : i32
    %jit3A_9 = arith.constant 1 : i32
    %select_n3A = arith.select %eq3A_8, %jit3A_9, %jit3A : i32
    %rem3A = vector.broadcast %select_n3A : i32 to vector<4x64xi32>
    %rem3A_10 = arith.remsi %iota3A, %rem3A : vector<4x64xi32>
    %ne3A = arith.constant 0 : i32
    %ne3A_11 = vector.broadcast %ne3A : i32 to vector<4x64xi32>
    %ne3A_12 = arith.cmpi ne, %rem3A_10, %ne3A_11 : vector<4x64xi32>
    %lt3A_13 = arith.constant 0 : i32
    %lt3A_14 = vector.broadcast %lt3A_13 : i32 to vector<4x64xi32>
    %lt3A_15 = arith.cmpi slt, %rem3A_10, %lt3A_14 : vector<4x64xi32>
    %lt3A_16 = arith.constant 0 : i32
    %lt3A_17 = arith.cmpi slt, %select_n3A, %lt3A_16 : i32
    %ne3A_18 = vector.broadcast %lt3A_17 : i1 to vector<4x64xi1>
    %ne3A_19 = vector.broadcast %ne3A_18 : vector<4x64xi1> to vector<4x64xi1>
    %ne3A_20 = arith.xori %lt3A_15, %ne3A_19 : vector<4x64xi1>
    %and3A_21 = arith.andi %ne3A_20, %ne3A_12 : vector<4x64xi1>
    %add3A_22 = vector.broadcast %select_n3A : i32 to vector<4x64xi32>
    %add3A_23 = arith.addi %rem3A_10, %add3A_22 : vector<4x64xi32>
    %select_n3A_24 = arith.select %and3A_21, %add3A_23, %rem3A_10 : vector<4x64xi1>, vector<4x64xi32>
    %shift_left3A = arith.constant 1 : i32
    %shift_left3A_25 = vector.broadcast %shift_left3A : i32 to vector<4x64xi32>
    %shift_left3A_26 = arith.shli %shift_left3A_25, %select_n3A_24 : vector<4x64xi32>
    %jit3A_27 = arith.constant 0 : i32
    %broadcast_in_dim3A = vector.broadcast %jit3A_27 : i32 to vector<4x64xi32>
    %select_n3A_28 = arith.select %and3A, %shift_left3A_26, %broadcast_in_dim3A : vector<4x64xi1>, vector<4x64xi32>
    %convert_element_type3A = arith.sitofp %select_n3A_28 : vector<4x64xi32> to vector<4x64xf32>
    %get3A = arith.constant 0 : index
    %get3A_29 = arith.constant 0 : index
    %get3A_30 = vector.load %arg1[%get3A, %get3A_29] : memref<64x10240xf32, #tpu.memory_space<vmem>>, vector<64x10240xf32>
    %dot_general3A = arith.constant dense<0.000000e+00> : vector<4x10240xf32>
    %dot_general3A_31 = tpu.matmul %convert_element_type3A, %get3A_30, %dot_general3A {dimension_numbers = #tpu.dot_dimension_numbers<[1], [0], [0], [1], [0, 0, 1, 1], [], []>, transpose_lhs_hint = false} : vector<4x64xf32>, vector<64x10240xf32>, vector<4x10240xf32> -> vector<4x10240xf32>
    %get3A_32 = arith.constant 0 : index
    %get3A_33 = arith.constant 0 : index
    %get3A_34 = vector.load %arg2[%get3A_32, %get3A_33] : memref<64x10240xf32, #tpu.memory_space<vmem>>, vector<64x10240xf32>
    %dot_general3A_35 = arith.constant dense<0.000000e+00> : vector<4x10240xf32>
    %dot_general3A_36 = tpu.matmul %convert_element_type3A, %get3A_34, %dot_general3A_35 {dimension_numbers = #tpu.dot_dimension_numbers<[1], [0], [0], [1], [0, 0, 1, 1], [], []>, transpose_lhs_hint = false} : vector<4x64xf32>, vector<64x10240xf32>, vector<4x10240xf32> -> vector<4x10240xf32>
    %sub3A = arith.constant 6.553500e+04 : f32
    %sub3A_37 = vector.broadcast %sub3A : f32 to vector<4x10240xf32>
    %sub3A_38 = arith.subf %sub3A_37, %dot_general3A_31 : vector<4x10240xf32>
    %mul3A_39 = arith.constant 5.000000e-01 : f32
    %mul3A_40 = vector.broadcast %mul3A_39 : f32 to vector<4x10240xf32>
    %mul3A_41 = arith.mulf %sub3A_38, %mul3A_40 : vector<4x10240xf32>
    %convert_element_type3A_42 = arith.fptosi %mul3A_41 : vector<4x10240xf32> to vector<4x10240xi32>
    %sub3A_43 = arith.constant 6.553500e+04 : f32
    %sub3A_44 = vector.broadcast %sub3A_43 : f32 to vector<4x10240xf32>
    %sub3A_45 = arith.subf %sub3A_44, %dot_general3A_36 : vector<4x10240xf32>
    %mul3A_46 = arith.constant 5.000000e-01 : f32
    %mul3A_47 = vector.broadcast %mul3A_46 : f32 to vector<4x10240xf32>
    %mul3A_48 = arith.mulf %sub3A_45, %mul3A_47 : vector<4x10240xf32>
    %convert_element_type3A_49 = arith.fptosi %mul3A_48 : vector<4x10240xf32> to vector<4x10240xi32>
    %slice3A = vector.extract_strided_slice %convert_element_type3A_42 {offsets = [0, 0], sizes = [1, 10240], strides = [1, 1]} : vector<4x10240xi32> to vector<1x10240xi32>
    %squeeze3A = vector.shape_cast %slice3A : vector<1x10240xi32> to vector<10240xi32>
    %slice3A_50 = vector.extract_strided_slice %convert_element_type3A_49 {offsets = [0, 0], sizes = [1, 10240], strides = [1, 1]} : vector<4x10240xi32> to vector<1x10240xi32>
    %squeeze3A_51 = vector.shape_cast %slice3A_50 : vector<1x10240xi32> to vector<10240xi32>
    %shift_left3A_52 = arith.constant 16 : i32
    %shift_left3A_53 = vector.broadcast %shift_left3A_52 : i32 to vector<10240xi32>
    %shift_left3A_54 = arith.shli %squeeze3A_51, %shift_left3A_53 : vector<10240xi32>
    %add3A_55 = arith.addi %squeeze3A, %shift_left3A_54 : vector<10240xi32>
    %swap3A = arith.constant 0 : index
    %swap3A_56 = vector.load %arg3[%swap3A] : memref<10240xi32, #tpu.memory_space<vmem>>, vector<10240xi32>
    tpu.vector_store %arg3[%swap3A], %add3A_55 {strides = array<i32>} : memref<10240xi32, #tpu.memory_space<vmem>>, vector<10240xi32>,
    %slice3A_57 = vector.extract_strided_slice %convert_element_type3A_42 {offsets = [1, 0], sizes = [1, 10240], strides = [1, 1]} : vector<4x10240xi32> to vector<1x10240xi32>
    %squeeze3A_58 = vector.shape_cast %slice3A_57 : vector<1x10240xi32> to vector<10240xi32>
    %slice3A_59 = vector.extract_strided_slice %convert_element_type3A_49 {offsets = [1, 0], sizes = [1, 10240], strides = [1, 1]} : vector<4x10240xi32> to vector<1x10240xi32>
    %squeeze3A_60 = vector.shape_cast %slice3A_59 : vector<1x10240xi32> to vector<10240xi32>
    %shift_left3A_61 = arith.constant 16 : i32
    %shift_left3A_62 = vector.broadcast %shift_left3A_61 : i32 to vector<10240xi32>
    %shift_left3A_63 = arith.shli %squeeze3A_60, %shift_left3A_62 : vector<10240xi32>
    %add3A_64 = arith.addi %squeeze3A_58, %shift_left3A_63 : vector<10240xi32>
    %swap3A_65 = arith.constant 0 : index
    %swap3A_66 = vector.load %arg4[%swap3A_65] : memref<10240xi32, #tpu.memory_space<vmem>>, vector<10240xi32>
    tpu.vector_store %arg4[%swap3A_65], %add3A_64 {strides = array<i32>} : memref<10240xi32, #tpu.memory_space<vmem>>, vector<10240xi32>,
    %slice3A_67 = vector.extract_strided_slice %convert_element_type3A_42 {offsets = [2, 0], sizes = [1, 10240], strides = [1, 1]} : vector<4x10240xi32> to vector<1x10240xi32>
    %squeeze3A_68 = vector.shape_cast %slice3A_67 : vector<1x10240xi32> to vector<10240xi32>
    %slice3A_69 = vector.extract_strided_slice %convert_element_type3A_49 {offsets = [2, 0], sizes = [1, 10240], strides = [1, 1]} : vector<4x10240xi32> to vector<1x10240xi32>
    %squeeze3A_70 = vector.shape_cast %slice3A_69 : vector<1x10240xi32> to vector<10240xi32>
    %shift_left3A_71 = arith.constant 16 : i32
    %shift_left3A_72 = vector.broadcast %shift_left3A_71 : i32 to vector<10240xi32>
    %shift_left3A_73 = arith.shli %squeeze3A_70, %shift_left3A_72 : vector<10240xi32>
    %add3A_74 = arith.addi %squeeze3A_68, %shift_left3A_73 : vector<10240xi32>
    %swap3A_75 = arith.constant 0 : index
    %swap3A_76 = vector.load %arg5[%swap3A_75] : memref<10240xi32, #tpu.memory_space<vmem>>, vector<10240xi32>
    tpu.vector_store %arg5[%swap3A_75], %add3A_74 {strides = array<i32>} : memref<10240xi32, #tpu.memory_space<vmem>>, vector<10240xi32>,
    %slice3A_77 = vector.extract_strided_slice %convert_element_type3A_42 {offsets = [3, 0], sizes = [1, 10240], strides = [1, 1]} : vector<4x10240xi32> to vector<1x10240xi32>
    %squeeze3A_78 = vector.shape_cast %slice3A_77 : vector<1x10240xi32> to vector<10240xi32>
    %slice3A_79 = vector.extract_strided_slice %convert_element_type3A_49 {offsets = [3, 0], sizes = [1, 10240], strides = [1, 1]} : vector<4x10240xi32> to vector<1x10240xi32>
    %squeeze3A_80 = vector.shape_cast %slice3A_79 : vector<1x10240xi32> to vector<10240xi32>
    %shift_left3A_81 = arith.constant 16 : i32
    %shift_left3A_82 = vector.broadcast %shift_left3A_81 : i32 to vector<10240xi32>
    %shift_left3A_83 = arith.shli %squeeze3A_80, %shift_left3A_82 : vector<10240xi32>
    %add3A_84 = arith.addi %squeeze3A_78, %shift_left3A_83 : vector<10240xi32>
    %swap3A_85 = arith.constant 0 : index
    %swap3A_86 = vector.load %arg6[%swap3A_85] : memref<10240xi32, #tpu.memory_space<vmem>>, vector<10240xi32>
    tpu.vector_store %arg6[%swap3A_85], %add3A_84 {strides = array<i32>} : memref<10240xi32, #tpu.memory_space<vmem>>, vector<10240xi32>,
    return
  }
  func.func @transform_0(%arg0: i32) -> (i32, i32) {
    %c0_i32 = arith.constant 0 : i32
    %c0_i32_0 = arith.constant 0 : i32
    return %c0_i32, %arg0 : i32, i32
  }
  func.func @transform_1(%arg0: i32) -> (i32, i32) {
    %add3A = arith.constant 5 : i32
    %add3A_0 = arith.addi %arg0, %add3A : i32
    %c0_i32 = arith.constant 0 : i32
    %c0_i32_1 = arith.constant 0 : i32
    return %c0_i32, %add3A_0 : i32, i32
  }
  func.func @transform_2(%arg0: i32) -> i32 {
    %c0_i32 = arith.constant 0 : i32
    return %arg0 : i32
  }
  func.func @transform_3(%arg0: i32) -> i32 {
    %c0_i32 = arith.constant 0 : i32
    return %arg0 : i32
  }
  func.func @transform_4(%arg0: i32) -> i32 {
    %c0_i32 = arith.constant 0 : i32
    return %arg0 : i32
  }
  func.func @transform_5(%arg0: i32) -> i32 {
    %c0_i32 = arith.constant 0 : i32
    return %arg0 : i32
  }
}

</mosaic_0001>

<sc_bundles>
// kernel: kernel.4.cloned.1.call-start
scs
__scs_entry_jumppad:
0x0: {  	(pc) =	sbr.rel $0x88, $3  }
0x1: {  	(tag) =	ssettag $0x0;
	lr =	simm.s32 $0x1  }
0x2: {  	[smem:$0x3F9E] =	sst lr;
	_ =	strace $0xD0000000  }
0x3: {  	_ = 	snop  }
0x4: {  	_ = 	snop  }
0x5: {  	_ = 	snop  }
0x6: {  	_ = 	snop  }
0x7: {  	_ = 	snop  }
__scs_overlays_trampoline_lowered:
0x8: {  	[smem:$0x3FAD] =	sst s0  }
0x9: {  	[smem:$0x3FAE] =	sst s1  }
0xa: {  	[smem:$0x3FAF] =	sst s2  }
0xb: {  	[smem:$0x3FB0] =	sst s3  }
0xc: {  	[smem:$0x3FB1] =	sst s4  }
0xd: {  	[smem:$0x3FB2] =	sst s5  }
0xe: {  	[smem:$0x3FB3] =	sst s6  }
0xf: {  	[smem:$0x3FB4] =	sst s7  }
0x10: {  	[smem:$0x3FB5] =	sst s8  }
0x11: {  	[smem:$0x3FB6] =	sst s9;
	s0 =	simm.s32 @!p0 $0x0  }
0x12: {  	s1 =	sld [smem:$0x3F9C];
	s0 =	simm.s32 @p0 $0x1  }
0x13: {  	[smem:$0x3FB7] =	sst s0;
	s0 =	simm.s32 @!p1 $0x0  }
0x14: {  	s2 =	sld [smem:$0x3F9B];
	s0 =	simm.s32 @p1 $0x1  }
0x15: {  	[smem:$0x3FB8] =	sst s0;
	s0 =	simm.s32 @!p2 $0x0  }
0x16: {  	s3 =	sld [smem:$0x3FDB];
	s0 =	simm.s32 @p2 $0x1  }
0x17: {  	s4 =	simm.s32 $0x1BF5;
	[smem:$0x3FBA] =	sst s0  }
0x18: {  	s0 =	sld [smem:$0x3F9D];
	_ =	swait.ge [sflag:s4], $0x0  }
0x19: {  	s7 =	sld [smem:$0x3F9E]  }
0x1a: {  	s8 =	sadd.s32 $0xFFFFE003, lr  }
0x1b: {  	s9 =	sadd.s32 $0xFFFFFEF7, lr;
	s5 =	simm.s32 $0xFFFFFFFF;
	p2 =	slt.u32 s8, $0xFFFFF086  }
0x1c: {  	p1 =	slt.u32 s9, $0xF7A;
	s5 =	simm.s32 @!p2 $0x0  }
0x1d: {  	s5 =	simm.s32 @p1 $0x1;
	p0 =	seq.s32 s7, s2  }
0x1e: {  	s7 =	smul.u32 @!p0 $0xF7A, s2;
	p2 =	seq.s32 @!p0 s5, $0x0  }
0x1f: {  	s9 =	smul.u32 $0xF7A, s1;
	s8 =	simm.s32 @!p0 $0x1BF5;
	p2 =	por !p2, p0  }
0x20: {  	[sflag:s8] =	ssyncset.s32 @!p0 $0xFFFFF086;
	s6 =	sadd.s32 @!p0 s3, s7;
	s7 =	simm.s32 @!p0 $0x108  }
0x21: {  	s3 =	sadd.s32 s3, s9;
	s6 =	sadd.s32 @!p0 $0x88, s6;
	s7 =	simm.s32 @p2 $0x1082  }
0x22: {  	[simem:s7], [sflag:s8] =	dma.local @!p0 [hbm:s6], $0xF7A  }
0x23: {  	s9 =	sor.u32 $0xD0000000, s2;
	s6 =	simm.s32 $0x108;
	_ =	swait.ge @!p0 [sflag:s8], $0x0  }
0x24: {  	s3 =	sadd.s32 $0x88, s3;
	s6 =	simm.s32 @!p1 $0x1082;
	[sflag:s4] =	ssyncset.s32 $0xFFFFF086  }
0x25: {  	[simem:s6], [sflag:s4] =	dma.local [hbm:s3], $0xF7A  }
0x26: {  	[smem:$0x3F9E] =	sst s1;
	(tag) =	ssettag s2;
	_ =	strace s9  }
0x27: {  	s1 =	sld [smem:$0x3FAE]  }
0x28: {  	s2 =	sld [smem:$0x3FAF]  }
0x29: {  	s4 =	sld [smem:$0x3FB1]  }
0x2a: {  	p0 =	seq.s32 s5, $0x0;
	s5 =	sld [smem:$0x3FB2]  }
0x2b: {  	s6 =	sld [smem:$0x3FB3]  }
0x2c: {  	s7 =	sld [smem:$0x3FB4]  }
0x2d: {  	s3 =	simm.s32 $0x108;
	s8 =	sld [smem:$0x3FB5]  }
0x2e: {  	s3 =	simm.s32 @!p0 $0x1082;
	s9 =	sld [smem:$0x3FB6]  }
0x2f: {  	lr =	sadd.s32 s0, s3;
	s0 =	sld [smem:$0x3FAD]  }
0x30: {  	s3 =	sld [smem:$0x3FB0]  }
0x31: {  	[smem:$0x3FB9] =	sst s10  }
0x32: {  	s10 =	sld [smem:$0x3FB7];
	_ =	sdelay $0x3  }
0x33: {  	p0 =	seq.s32 s10, $0x1;
	s10 =	sld [smem:$0x3FB9];
	_ =	sdelay $0x3  }
0x34: {  	[smem:$0x3FB9] =	sst s10  }
0x35: {  	s10 =	sld [smem:$0x3FB8];
	_ =	sdelay $0x3  }
0x36: {  	p1 =	seq.s32 s10, $0x1;
	s10 =	sld [smem:$0x3FB9];
	_ =	sdelay $0x3  }
0x37: {  	[smem:$0x3FB9] =	sst s10  }
0x38: {  	s10 =	sld [smem:$0x3FBA]  }
0x39: {  	_ = 	snop;
	(pc) =	sbr.ind lr, $3  }
0x3a: {  	_ = 	snop  }
0x3b: {  	_ = 	snop  }
0x3c: {  	p2 =	seq.s32 s10, $0x1;
	s10 =	sld [smem:$0x3FB9]  }
0x3d: {  	_ =	shalt  }
0x3e: {  	_ =	shalt  }
0x3f: {  	_ =	shalt  }
0x40: {  	_ =	shalt  }
0x41: {  	_ =	shalt  }
0x42: {  	_ =	shalt  }
0x43: {  	_ =	shalt  }
0x44: {  	_ =	shalt  }
0x45: {  	_ =	shalt  }
0x46: {  	_ =	shalt  }
0x47: {  	_ =	shalt  }
0x48: {  	_ =	shalt  }
0x49: {  	_ =	shalt  }
0x4a: {  	_ =	shalt  }
0x4b: {  	_ =	shalt  }
0x4c: {  	_ =	shalt  }
0x4d: {  	_ =	shalt  }
0x4e: {  	_ =	shalt  }
0x4f: {  	_ =	shalt  }
0x50: {  	_ =	shalt  }
0x51: {  	_ =	shalt  }
0x52: {  	_ =	shalt  }
0x53: {  	_ =	shalt  }
0x54: {  	_ =	shalt  }
0x55: {  	_ =	shalt  }
0x56: {  	_ =	shalt  }
0x57: {  	_ =	shalt  }
0x58: {  	_ =	shalt  }
0x59: {  	_ =	shalt  }
0x5a: {  	_ =	shalt  }
0x5b: {  	_ =	shalt  }
0x5c: {  	_ =	shalt  }
0x5d: {  	_ =	shalt  }
0x5e: {  	_ =	shalt  }
0x5f: {  	_ =	shalt  }
0x60: {  	_ =	shalt  }
0x61: {  	_ =	shalt  }
0x62: {  	_ =	shalt  }
0x63: {  	_ =	shalt  }
0x64: {  	_ =	shalt  }
0x65: {  	_ =	shalt  }
0x66: {  	_ =	shalt  }
0x67: {  	_ =	shalt  }
0x68: {  	_ =	shalt  }
0x69: {  	_ =	shalt  }
0x6a: {  	_ =	shalt  }
0x6b: {  	_ =	shalt  }
0x6c: {  	_ =	shalt  }
0x6d: {  	_ =	shalt  }
0x6e: {  	_ =	shalt  }
0x6f: {  	_ =	shalt  }
0x70: {  	_ =	shalt  }
0x71: {  	_ =	shalt  }
0x72: {  	_ =	shalt  }
0x73: {  	_ =	shalt  }
0x74: {  	_ =	shalt  }
0x75: {  	_ =	shalt  }
0x76: {  	_ =	shalt  }
0x77: {  	_ =	shalt  }
0x78: {  	_ =	shalt  }
0x79: {  	_ =	shalt  }
0x7a: {  	_ =	shalt  }
0x7b: {  	_ =	shalt  }
0x7c: {  	_ =	shalt  }
0x7d: {  	_ =	shalt  }
0x7e: {  	_ =	shalt  }
0x7f: {  	_ =	shalt  }
0x80: {  	_ =	shalt  }
0x81: {  	_ =	shalt  }
0x82: {  	_ =	shalt  }
0x83: {  	_ =	shalt  }
0x84: {  	_ =	shalt  }
0x85: {  	_ =	shalt  }
0x86: {  	_ =	shalt  }
0x87: {  	_ =	shalt  }
.Lfunc_end0:
.L_simem_size_0:
called_computation_lowered:
.L_overlay_start_0:
0x88: {  	s2 =	sld [smem:$0x3FD9]  }
0x89: {  	s3 =	sld [smem:$0x3FFE];
	_ =	sdelay $0x1  }
0x8a: {  	s1 =	srdreg.scid  }
0x8b: {  	s0 =	sand.u32 $0x1, s1  }
0x8c: {  	s17 =	sshll.u32 s0, $0xA;
	s2 =	sadd.s32 s3, s2  }
0x8d: {  	s2 =	sadd.s32 s2, s17  }
0x8e: {  	[smem:$0x3FC5] =	sst s2  }
0x8f: {  	_ = 	snop  }
0x90: {  	s2 =	sld [smem:$0x3FC9]  }
0x91: {  	s18 =	sld [smem:$0x3FC8];
	(tm) =	ssettm $0x1  }
0x92: {  	s4 =	sld [smem:$0x3FFB];
	_ =	sdelay $0x3  }
0x93: {  	_ =	strace s4  }
0x94: {  	s4 =	sld [smem:$0x3FFC];
	_ =	sdelay $0x3  }
0x95: {  	_ =	strace s4  }
0x96: {  	s4 =	sld [smem:$0x3FFD];
	_ =	sdelay $0x3  }
0x97: {  	_ =	strace s4  }
0x98: {  	_ =	strace $0x8FFFFFFF  }
0x99: {  	s19 =	sld [smem:$0x3FDB];
	_ =	sdelay $0x1  }
0x9a: {  	s5 =	simm.s32 $_scs_section_size  }
0x9b: {  	s6 =	simm.s32 $_size__tile_overlayer_lowered;
	s7 =	simm.s32 $_tile_overlayer_lowered  }
0x9c: {  	s22 =	simm.s32 $0x1BFF;
	s21 =	sshll.u32 s7, $0x1;
	s4 =	sadd.s32 s5, s19  }
0x9d: {  	s8 =	simm.s32 $0x0;
	s20 =	sshll.u32 s6, $0x1;
	s6 =	sadd.s32 s21, s4  }
0x9e: {  	[timem:s8], [sflag:s22] =	dma.local [hbm:s6], s20  }
0x9f: {  	_ =	swait.ge [sflag:s22], s20  }
0xa0: {  	s5 =	ssub.s32 $0x0, s20;
	[sflag:s22] =	ssyncset.done $0x0  }
0xa1: {  	[sflag:s22] =	ssyncadd.s32 s5;
	_ =	sdelay $0x1  }
0xa2: {  	s23 =	simm.s32 $0x1B8B  }
0xa3: {  	_ =	swait.ge [sflag:s23], $0x1  }
0xa4: {  	[sflag:s23] =	ssyncset.done $0x0  }
0xa5: {  	s25 =	simm.s32 $0x1B8E;
	s24 =	sld [smem:$0x3FFE];
	[sflag:s23] =	ssyncadd.s32 $0xFFFFFFFF  }
0xa6: {  	s26 =	simm.s32 $execute0_lowered;
	[smem:$0x3FD2] =	sst s25  }
0xa7: {  	s6 =	sshll.u32 s26, $0x1;
	_ =	strace $0x80000046;
	[dreg:$0x1] =	wrdreg $0xFFFFFFFF  }
0xa8: {  	s28 =	simm.s32 $_size_execute0_lowered;
	s4 =	sadd.s32 s4, s6;
	[dreg:$0x0] =	wrdreg $0x0  }
0xa9: {  	s6 =	sshll.u32 s28, $0x1;
	[dreg:$0x2] =	wrdreg s4  }
0xaa: {  	[dreg:$0x3] =	wrdreg s6  }
0xab: {  	[dreg:$0x4] =	wrdreg $0xC0  }
0xac: {  	_ =	task [dreg:s8], $0x5FFFF  }
0xad: {  	[dreg:$0x1] =	wrdreg $0xFFFFFFFF  }
0xae: {  	[dreg:$0x0] =	wrdreg $0x60  }
0xaf: {  	[dreg:$0x2] =	wrdreg s2  }
0xb0: {  	[dreg:$0x3] =	wrdreg s18  }
0xb1: {  	[dreg:$0x4] =	wrdreg s24  }
0xb2: {  	[dreg:$0x5] =	wrdreg $0x150800  }
0xb3: {  	[dreg:$0x6] =	wrdreg $0x9  }
0xb4: {  	_ =	task.clear_ibuf [dreg:s8], $0x7FFFF;
	_ =	strace $0x90000046  }
0xb5: {  	s29 =	simm.s32 $0x9;
	_ =	strace $0x80000048  }
0xb6: {  	_ =	swait.ge [sflag:s29], $0x1  }
0xb7: {  	[sflag:s29] =	ssyncadd.s32 $0xFFFFFFFF  }
0xb8: {  	_ =	strace $0x90000048  }
0xb9: {  	_ =	sfence  }
0xba: {  	s30 =	sld [smem:$0x0];
	_ =	sdelay $0x2  }
0xbb: {  	s31 =	sshll.u32 s1, $0xD;
	s1 =	sshrl.u32 s1, $0x2  }
0xbc: {  	s3 =	sand.u32 $0x4000, s31;
	s1 =	sadd.s32 s1, s30  }
0xbd: {  	s0 =	sor.u32 s3, s0;
	s1 =	sshll.u32 s1, $0x11  }
0xbe: {  	s0 =	sor.u32 s1, s0  }
0xbf: {  	s0 =	sadd.s32 $0x8F2B, s0  }
0xc0: {  	[sflag:s0] =	ssyncadd.remote.s32 $0x1  }
0xc1: {  	_ =	sfence.sel $0xFFFF  }
0xc2: {  	[dreg:$0x0] =	wrdreg $0xFFFFFFFF;
	(pc) =	sbr.abs _section_cstart, $3  }
0xc3: {  	[dreg:$0x1] =	wrdreg $0xFFFFFFFF  }
0xc4: {  	_ =	task.clear_ibuf [dreg:s8], $0x2FFFF;
	_ =	strace $0x9FFFFFFF  }
0xc5: {  	(tm) =	ssettm $0x7FFFFFFF  }
tec
execute0_lowered:
.L_overlay_start_1:
0x0: {  	(tag) =	ssettag $0x1  }
0x1: {  	s0 =	rddreg [dreg:$0x0]  }
0x2: {  	s5 =	rddreg [dreg:$0x1]  }
0x3: {  	s7 =	rddreg [dreg:$0x2]  }
0x4: {  	s15 =	rddreg [dreg:$0x3];
	s1 =	simm.s32 $0x0  }
0x5: {  	s8 =	srdreg.scid;
	s17 =	stileid.u32;
	s20 =	simm.s32 $0xD000  }
0x6: {  	s21 =	simm.s32 $0x80;
	s22 =	simm.s32 $0x100;
	s28 =	simm.s32 $0x0  }
0x7: {  	[smem:$0x7FF] =	sst s1;
	s2 =	sadd.s32 $0xA00, s7;
	s3 =	sadd.s32 $0x2400, s7  }
0x8: {  	s4 =	sadd.s32 $0x3E00, s7;
	s6 =	sadd.s32 $0x5800, s7;
	s8 =	sand.u32 $0x1, s8  }
0x9: {  	s24 =	sand.u32 $0x1, s17;
	p3 =	seq.s32 s17, $0x0;
	p1 =	seq.s32 s17, $0x1  }
0xa: {  	s26 =	sshll.u32 s17, $0x3;
	s16 =	sadd.s32 $0x80, s15;
	s31 =	sshll.u32 s17, $0x5  }
0xb: {  	p4 =	sgt.u32 s17, $0x1;
	_ =	strace $0x80000047;
	s9 =	sshll.u32 s8, $0x4  }
0xc: {  	s10 =	ssub.s32 $0x2, s8;
	s25 =	sshll.u32 s8, $0x10;
	s13 =	sshll.u32 s24, $0xF  }
0xd: {  	p0 =	seq.s32 s8, $0x0;
	s14 =	sor.u32 s17, s8;
	p2 =	seq.s32 s8, $0x1  }
0xe: {  	s29 =	sand.u32 $0x70, s26;
	s26 =	simm.s32 $0x15000;
	s11 =	sadd.s32 s9, s7  }
0xf: {  	s23 =	sshrl.u32 s10, $0x1;
	p0 =	por !p0, !p1;
	p3 =	por !p3, !p2  }
0x10: {  	s7 =	sshll.u32 s29, $0x4;
	s0 =	sadd.s32 s0, s25;
	s30 =	sshll.u32 s29, $0x7  }
0x11: {  	s9 =	sshll.u32 s24, $0x7;
	p2 =	por !p1, !p2;
	p1 =	sne.s32 s14, $0x0  }
0x12: {  	s24 =	simm.s32 $0x2;
	s25 =	simm.s32 $0x3;
	s12 =	ssub.s32 s10, s23  }
0x13: {  	p0 =	por !p0, !p0;
	p3 =	por !p3, !p3;
	s7 =	sadd.s32 s5, s7  }
0x14: {  	s0 =	sadd.s32 s13, s0;
	s9 =	sadd.s32 s9, s15;
	p2 =	por !p2, !p2  }
0x15: {  	s13 =	sshrl.u32 @!p1 s15, $0x3;
	s23 =	simm.s32 $0x4;
	s8 =	sadd.s32 s30, s0  }
0x16: {  	s0 =	sadd.s32 s31, s11;
	s11 =	smax.u32 s12, $0x1;
	p2 =	por @!p0 !p2, p3  }
0x17: {  	p3 =	por !p3, p0;
	s10 =	sadd.s32 $0x7200, s0;
	s0 =	sshll.u32 @!p1 s17, $0x6  }
0x18: {  	p2 =	por p2, p0;
	s15 =	sshrl.u32 @!p3 s15, $0x3;
	s17 =	simm.s32 $0xC800  }
0x19: {  	v0 =	vimm.s32 $0x0;
	v1 =	vimm.f32 $-1.000000000e+00;
	v2 =	vimm.f32 $1.000000000e+00;
	s12 =	sor.u32 @!p1 $0x1C01, s0;
	s14 =	sshrl.u32 @!p2 s16, $0x3;
	s16 =	sshrl.u32 @p0 s16, $0x3  }
.LBB2_1:
0x1a: {  	s0 =	simm.s32 @!p1 $0x1  }
0x1b: {  	s5 =	simm.s32 @!p1 $0x20;
	s18 =	simm.s32 @!p1 $0x10;
	s29 =	simm.s32 @!p2 $0x1C41  }
0x1c: {  	[spmem:s13@s5], [sflag:s12] =	dma.strided @!p1 [hbm:s2@s18], $0x1900, s0, $0x10   }
0x1d: {  	s0 =	simm.s32 @!p2 $0x1;
	s5 =	simm.s32 @!p2 $0x20;
	s18 =	simm.s32 @!p2 $0x10  }
0x1e: {  	[spmem:s14@s5], [sflag:s29] =	dma.strided @!p2 [hbm:s6@s18], $0x1900, s0, $0x10   }
0x1f: {  	s0 =	simm.s32 @!p3 $0x1  }
0x20: {  	s5 =	simm.s32 @!p3 $0x20;
	s18 =	simm.s32 @!p3 $0x10;
	s29 =	simm.s32 @!p3 $0x1C01  }
0x21: {  	[spmem:s15@s5], [sflag:s29] =	dma.strided @!p3 [hbm:s4@s18], $0x1900, s0, $0x10   }
0x22: {  	s0 =	simm.s32 @p0 $0x1  }
0x23: {  	s5 =	simm.s32 @p0 $0x20;
	s18 =	simm.s32 @p0 $0x10;
	s29 =	simm.s32 @p0 $0x1C41  }
0x24: {  	[spmem:s16@s5], [sflag:s29] =	dma.strided @p0 [hbm:s3@s18], $0x1900, s0, $0x10   }
0x25: {  	[tilespmem:s17], [sflag:$0x2] =	stream.linear.gather [hbm4b:s7+s1], $0x800, $0x38;
	[tilespmem:$0x16980] =	vst v63  }
0x26: {  	s19 =	simm.s32 $0x20000;
	s18 =	simm.s32 $0x4000;
	s0 =	simm.s32 @!p4 $0x1  }
0x27: {  	[tilespmem:s20], [sflag:$0x3] =	stream.strided.gather [hbm4b:s8+s18], $0x8000, s19, s18, $0x38;
	[tilespmem:$0x16980] =	vst v63  }
0x28: {  	_ =	swait.ge @!p4 [sflag:s0], $0x1900  }
0x29: {  	[sflag:s0] =	ssyncset.done @!p4 $0x0  }
0x2a: {  	[sflag:s0] =	ssyncadd.s32 @!p4 $0xFFFFE700  }
0x2b: {  	[bflag:$0x0] =	sbarrier.arrive $0xFFFF  }
0x2c: {  	[tilespmem:s1], [sflag:$0x4] =	stream.strided.gather [spmem:s9], $0xC800, s22, s21, $0x38;
	[tilespmem:$0x16980] =	vst v63  }
0x2d: {  	_ =	swait.ge [sflag:s23], $0xC800  }
0x2e: {  	[sflag:s23] =	ssyncset.done $0x0  }
0x2f: {  	[sflag:s23] =	ssyncadd.s32 $0xFFFF3800  }
0x30: {  	_ =	swait.ge [sflag:s24], $0x800  }
0x31: {  	[sflag:s24] =	ssyncset.done $0x0  }
0x32: {  	[sflag:s24] =	ssyncadd.s32 $0xFFFFF800  }
0x33: {  	_ =	swait.ge [sflag:s25], $0x8000  }
0x34: {  	[sflag:s25] =	ssyncset.done $0x0  }
0x35: {  	[sflag:s25] =	ssyncadd.s32 $0xFFFF8000  }
0x36: {  	v3 =	vld [tilespmem:s17+$0x0];
	_ =	sdelay $0x4  }
0x37: {  	vm0 =	vlt.s32 v3, $0xC800;
	v4 =	vadd.s32 $0xFFFF3800, v3  }
0x38: {  	v3 =	vsel vm0, v3, v4;
	_ =	sdelay $0x4  }
0x39: {  	v3 =	vld.idx.msk [tilespmem:v3+s1+$0x0], $0xffff;
	_ =	sdelay $0x3  }
0x3a: {  	v4 =	vsel vm0, $0x10, v0  }
0x3b: {  	s30 =	simm.s32 $0x0;
	v10 =	vshll.u32 v3, v4  }
0x3c: {  	s5 =	sand.u32 $0x70, s30;
	s18 =	sand.u32 $0x3C00, s1;
	v3 =	vimm.f32 $0.0e+00;
	v5 =	vand.u32 $0x20000, v10;
	v6 =	vand.u32 $0x400000, v10  }
0x3d: {  	s29 =	sor.u32 s5, s18;
	v4 =	vand.u32 $0x20000000, v10;
	v8 =	vand.u32 $0x10000, v10;
	v9 =	vand.u32 $0x40000000, v10  }
0x3e: {  	v7 =	vld [tilespmem:s29+$0xD180];
	v14 =	vand.u32 $0x100000, v10;
	v18 =	vand.u32 $0x1000000, v10;
	v21 =	vand.u32 $0x800000, v10  }
0x3f: {  	v11 =	vld [tilespmem:s29+$0xD080];
	v22 =	vand.u32 $0x10000000, v10;
	vm0 =	veq.s32 v5, $0x0;
	v5 =	vand.u32 $0x40000, v10  }
0x40: {  	v12 =	vld [tilespmem:s29+$0xD000];
	vm1 =	veq.s32 v6, $0x0;
	vm2 =	veq.s32 v5, $0x0;
	v5 =	vand.u32 $0x80000, v10  }
0x41: {  	v6 =	vld [tilespmem:s29+$0x11080];
	vm3 =	veq.s32 v9, $0x0;
	vm4 =	veq.s32 v5, $0x0;
	v5 =	vand.u32 $0x2000000, v10  }
0x42: {  	v16 =	vld [tilespmem:s29+$0x11100];
	v9 =	vsel vm3, $0x3F800000, v1;
	v13 =	vsel vm4, $0x3F800000, v1;
	vm3 =	veq.s32 v5, $0x0  }
0x43: {  	v19 =	vld [tilespmem:s29+$0xD300];
	vm4 =	veq.s32 v8, $0x0;
	v8 =	vsel vm0, $0x3F800000, v1;
	vm0 =	veq.s32 v14, $0x0  }
0x44: {  	v20 =	vld [tilespmem:s29+$0xD100];
	v15 =	vsel vm3, $0x3F800000, v1;
	v7 =	vsub.f32 v7, v13;
	v17 =	vsel vm4, $0x3F800000, v1  }
0x45: {  	v5 =	vld [tilespmem:s29+$0xD200];
	v8 =	vsub.f32 v11, v8;
	vm4 =	vlt.s32 v10, $0x0;
	v11 =	vsub.f32 v12, v17  }
0x46: {  	s19 =	sand.u32 $0x7, s1;
	v13 =	vsub.f32 v6, v15;
	v15 =	vand.u32 $0x4000000, v10;
	v6 =	vld [tilespmem:s29+$0x11380];
	v7 =	vmul.f32 v7, v7  }
0x47: {  	s0 =	sshll.u32 s19, $0x4;
	v12 =	vld [tilespmem:s29+$0xD280];
	v17 =	vand.u32 $0x8000000, v10;
	v8 =	vmul.f32 v8, v8;
	v11 =	vmul.f32 v11, v11  }
0x48: {  	s31 =	simm.s32 $0xC810;
	s0 =	sadd.s32 $0x0, s0;
	v14 =	vsel vm4, $0xBF800000, v2;
	vm3 =	veq.s32 v15, $0x0;
	v15 =	vld [tilespmem:s29+$0x11300];
	v7 =	vadd.f32 v7, v3  }
0x49: {  	s5 =	simm.s32 $0x0;
	s18 =	sor.u32 $0x380, s0;
	s0 =	simm.s32 $0x0;
	vm4 =	veq.s32 v17, $0x0;
	v17 =	vld [tilespmem:s29+$0x11180];
	v8 =	vadd.f32 v8, v3;
	v11 =	vadd.f32 v11, v3  }
.LBB2_2:
0x4a: {  	s30 =	sadd.s32 $0x10, s30;
	v10 =	vand.u32 $0x200000, v10;
	vm5 =	veq.s32 v21, $0x0;
	v21 =	vld [tilespmem:s18+$0xD000];
	vm6 =	veq.s32 v22, $0x0;
	s0 =	sadd.s32 $0x80, s0;
	s5 =	sadd.s32 $0x1, s5  }
0x4b: {  	s18 =	sand.u32 $0x70, s30;
	v22 =	vld [tilespmem:s31+$0x0];
	s19 =	sand.u32 $0x3C00, s0;
	p5 =	slt.u32 s30, $0x7F0;
	vm7 =	veq.s32 v10, $0x0;
	v10 =	vsel vm1, $0x3F800000, v1;
	vm1 =	veq.s32 v18, $0x0  }
0x4c: {  	v18 =	vsel vm2, $0x3F800000, v1;
	s18 =	sor.u32 s18, s19;
	v10 =	vsub.f32 v19, v10;
	v19 =	vsel vm3, $0x3F800000, v1;
	v23 =	vld [tilespmem:s29+$0x11200]  }
0x4d: {  	v18 =	vsub.f32 v20, v18;
	v16 =	vsub.f32 v16, v19;
	v19 =	vsel vm6, $0x3F800000, v1  }
0x4e: {  	v13 =	vmul.f32 v13, v13;
	v9 =	vsub.f32 v15, v9;
	v20 =	vsel vm5, $0x3F800000, v1  }
0x4f: {  	v15 =	vmul.f32 v18, v18;
	v18 =	vsub.f32 v21, v20;
	v20 =	vsel vm4, $0x3F800000, v1  }
0x50: {  	vm2 =	vlt.s32 v22, $0xC800;
	v21 =	vadd.s32 $0xFFFF3800, v22;
	v17 =	vsub.f32 v17, v20  }
0x51: {  	v10 =	vmul.f32 v10, v10;
	v3 =	vadd.f32 v15, v3;
	v15 =	vsub.f32 v23, v19;
	v19 =	vld [tilespmem:s29+$0x11280]  }
0x52: {  	vm3 =	veq.s32 v4, $0x0;
	v20 =	vsel vm2, v22, v21;
	v21 =	vsel vm7, $0x3F800000, v1;
	v22 =	vld [tilespmem:s29+$0x11000];
	s29 =	smov.u32 s18  }
0x53: {  	v4 =	vsub.f32 v12, v21;
	v3 =	vadd.f32 v10, v3;
	v10 =	vmul.f32 v18, v18  }
0x54: {  	v6 =	vsub.f32 v6, v14;
	v12 =	vmul.f32 v16, v16;
	v16 =	vmul.f32 v17, v17  }
0x55: {  	v14 =	vsel vm0, $0x3F800000, v1;
	v9 =	vmul.f32 v9, v9;
	v17 =	vsel vm3, $0x3F800000, v1  }
0x56: {  	v5 =	vsub.f32 v5, v14;
	v6 =	vmul.f32 v6, v6;
	v4 =	vmul.f32 v4, v4  }
0x57: {  	v7 =	vadd.f32 v10, v7;
	v10 =	vsel vm1, $0x3F800000, v1;
	v17 =	vsub.f32 v19, v17;
	v14 =	vld.idx.msk [tilespmem:v20+s1+$0x0], $0xffff  }
0x58: {  	v5 =	vmul.f32 v5, v5;
	v4 =	vadd.f32 v4, v8;
	v8 =	vsub.f32 v22, v10  }
0x59: {  	v3 =	vadd.f32 v12, v3;
	v7 =	vadd.f32 v16, v7;
	v10 =	vmul.f32 v17, v17  }
0x5a: {  	v5 =	vadd.f32 v11, v5;
	v4 =	vadd.f32 v13, v4;
	v8 =	vmul.f32 v8, v8  }
0x5b: {  	v3 =	vadd.f32 v9, v3;
	v7 =	vadd.f32 v6, v7;
	v11 =	vld [tilespmem:s29+$0xD000]  }
0x5c: {  	v6 =	vsel vm2, $0x10, v0;
	v5 =	vadd.f32 v8, v5;
	v8 =	vadd.f32 v10, v4;
	v12 =	vld [tilespmem:s29+$0xD180]  }
0x5d: {  	v10 =	vshll.u32 v14, v6;
	v6 =	vmul.f32 v15, v15  }
0x5e: {  	v9 =	vand.u32 $0x20000, v10;
	v13 =	vand.u32 $0x400000, v10;
	v4 =	vand.u32 $0x20000000, v10  }
0x5f: {  	v14 =	vand.u32 $0x10000, v10;
	vm0 =	veq.s32 v9, $0x0;
	vm1 =	veq.s32 v13, $0x0  }
0x60: {  	v15 =	vand.u32 $0x40000000, v10;
	v9 =	vand.u32 $0x40000, v10;
	v17 =	vadd.f32 v6, v5;
	v13 =	vld [tilespmem:s29+$0x11080]  }
0x61: {  	v5 =	vand.u32 $0x80000, v10;
	vm3 =	veq.s32 v15, $0x0;
	vm2 =	veq.s32 v9, $0x0;
	v16 =	vld [tilespmem:s29+$0xD080]  }
0x62: {  	v6 =	vand.u32 $0x2000000, v10;
	vm4 =	veq.s32 v5, $0x0;
	v9 =	vsel vm3, $0x3F800000, v1  }
0x63: {  	v18 =	vand.u32 $0x100000, v10;
	vm3 =	veq.s32 v6, $0x0;
	v15 =	vsel vm4, $0x3F800000, v1;
	v5 =	vld [tilespmem:s29+$0xD200]  }
0x64: {  	vm4 =	veq.s32 v14, $0x0;
	v14 =	vsel vm0, $0x3F800000, v1;
	v6 =	vsel vm3, $0x3F800000, v1  }
0x65: {  	v12 =	vsub.f32 v12, v15;
	v15 =	vand.u32 $0x4000000, v10;
	v13 =	vsub.f32 v13, v6;
	v6 =	vld [tilespmem:s29+$0x11380]  }
0x66: {  	v19 =	vsel vm4, $0x3F800000, v1;
	vm3 =	veq.s32 v15, $0x0;
	v14 =	vsub.f32 v16, v14;
	v16 =	vld [tilespmem:s29+$0x11100]  }
.Ltmp0:
0x67: {  	vm0 =	veq.s32 v18, $0x0;
	v11 =	vsub.f32 v11, v19;
	v19 =	vmul.f32 v12, v12;
	v15 =	vld [tilespmem:s29+$0x11300];
	(pc) =	sbr.rel @p5 .LBB2_2-.Ltmp0, $4  }
0x68: {  	s18 =	sand.u32 $0x7, s5;
	v22 =	vand.u32 $0x8000000, v10;
	v18 =	vand.u32 $0x1000000, v10;
	v14 =	vmul.f32 v14, v14;
	v12 =	vld [tilespmem:s29+$0xD280]  }
0x69: {  	s18 =	sshll.u32 s18, $0x4;
	vm4 =	vlt.s32 v10, $0x0;
	v11 =	vmul.f32 v11, v11;
	v7 =	vadd.f32 v19, v7;
	v19 =	vld [tilespmem:s29+$0xD300]  }
0x6a: {  	s18 =	sadd.s32 s18, s0;
	v21 =	vand.u32 $0x800000, v10;
	v8 =	vadd.f32 v14, v8;
	v20 =	vld [tilespmem:s29+$0xD100];
	v14 =	vsel vm4, $0xBF800000, v2  }
0x6b: {  	s31 =	sadd.s32 $0x10, s31;
	s18 =	sor.u32 $0x380, s18;
	v11 =	vadd.f32 v11, v17;
	vm4 =	veq.s32 v22, $0x0;
	v22 =	vand.u32 $0x10000000, v10;
	v17 =	vld [tilespmem:s29+$0x11180]  }
0x6c: {  	v10 =	vand.u32 $0x200000, v10;
	vm5 =	veq.s32 v21, $0x0  }
0x6d: {  	vm6 =	veq.s32 v22, $0x0;
	v41 =	vsel vm2, $0x3F800000, v1;
	v42 =	vsel vm1, $0x3F800000, v1  }
0x6e: {  	v23 =	vsel vm3, $0x3F800000, v1;
	vm14 =	veq.s32 v18, $0x0;
	v13 =	vmul.f32 v13, v13  }
0x6f: {  	v40 =	vld [tilespmem:s18+$0xD000];
	v9 =	vsub.f32 v15, v9;
	v48 =	vsel vm4, $0x3F800000, v1;
	vm15 =	veq.s32 v4, $0x0  }
0x70: {  	v43 =	vld [tilespmem:s29+$0x11200];
	v57 =	vsel vm0, $0x3F800000, v1;
	v6 =	vsub.f32 v6, v14;
	vm7 =	veq.s32 v10, $0x0  }
0x71: {  	v52 =	vld [tilespmem:s29+$0x11000];
	v16 =	vsub.f32 v16, v23;
	v45 =	vsel vm6, $0x3F800000, v1;
	v46 =	vsel vm5, $0x3F800000, v1  }
0x72: {  	v53 =	vld [tilespmem:s29+$0x11280];
	v5 =	vsub.f32 v5, v57;
	v59 =	vsel vm15, $0x3F800000, v1;
	v60 =	vsel vm14, $0x3F800000, v1  }
0x73: {  	v44 =	vsub.f32 v19, v42;
	v51 =	vsel vm7, $0x3F800000, v1;
	v9 =	vmul.f32 v9, v9  }
0x74: {  	v10 =	vsub.f32 v20, v41;
	v54 =	vsub.f32 v12, v51;
	v56 =	vmul.f32 v16, v16  }
0x75: {  	v5 =	vmul.f32 v5, v5;
	v49 =	vmul.f32 v44, v44;
	v17 =	vsub.f32 v17, v48  }
0x76: {  	v10 =	vmul.f32 v10, v10;
	v47 =	vsub.f32 v40, v46;
	v50 =	vsub.f32 v43, v45  }
0x77: {  	v4 =	vmul.f32 v54, v54;
	v15 =	vsub.f32 v52, v60;
	v61 =	vsub.f32 v53, v59  }
0x78: {  	v5 =	vadd.f32 v11, v5;
	v3 =	vadd.f32 v10, v3;
	v55 =	vmul.f32 v47, v47  }
0x79: {  	v58 =	vmul.f32 v17, v17;
	v4 =	vadd.f32 v4, v8;
	v62 =	vmul.f32 v15, v15  }
0x7a: {  	v10 =	vmul.f32 v61, v61;
	v3 =	vadd.f32 v49, v3;
	v7 =	vadd.f32 v55, v7  }
0x7b: {  	v63 =	vmul.f32 v50, v50;
	v4 =	vadd.f32 v13, v4;
	v5 =	vadd.f32 v62, v5  }
0x7c: {  	v6 =	vmul.f32 v6, v6;
	v3 =	vadd.f32 v56, v3;
	v7 =	vadd.f32 v58, v7  }
0x7d: {  	v4 =	vadd.f32 v10, v4;
	v5 =	vadd.f32 v63, v5  }
0x7e: {  	v3 =	vadd.f32 v9, v3;
	v6 =	vadd.f32 v6, v7;
	_ =	sdelay $0x1  }
0x7f: {  	v4 =	vadd.f32 v4, v5;
	v3 =	vadd.f32 v6, v3;
	_ =	sdelay $0x1  }
0x80: {  	s28 =	sadd.s32 $0x1, s28;
	v3 =	vadd.f32 v3, v4  }
0x81: {  	p5 =	sne.s32 s28, s11  }
.Ltmp1:
0x82: {  	[tilespmem:$0x15000] =	vst v3;
	(pc) =	sbr.rel @p5 .LBB2_1-.Ltmp1, $4  }
0x83: {  	[hbm4b:s10+s1] =	stream.linear.scatter [tilespmem:s26], [sflag:$0x4], $0x80, $0x38;
	[tilespmem:$0x16980] =	vst v63  }
0x84: {  	_ =	swait.ge [sflag:s23], $0x80  }
0x85: {  	[sflag:s23] =	ssyncset.done $0x0  }
0x86: {  	[sflag:s23] =	ssyncadd.s32 $0xFFFFFF80  }
0x87: {  	_ =	sfence.sel $0x180000  }
0x88: {  	[bflag:$0x0] =	sbarrier.arrive $0xFFFF  }
0x89: {  	_ =	strace $0x90000047  }
0x8a: {  	s0 =	stileid.u32;
	[bflag:$0x2] =	sbarrier.arrive $0xFFFF  }
0x8b: {  	p0 =	sne.s32 s0, $0x0;
	s0 =	rddreg [dreg:$0x4]  }
0x8c: {  	s0 =	sadd.s32 @!p0 $0x100000, s0  }
0x8d: {  	[sflag:s0] =	ssyncadd.tile.s32 @!p0 $0x1;
	_ =	shalt  }
.Lfunc_end2:
_tile_overlayer_lowered:
.L_overlay_start_2:
0x8e: {  	(tag) =	ssettag $0x2  }
0x8f: {  	s0 =	rddreg [dreg:$0x0];
	s2 =	stileid.u32  }
0x90: {  	s1 =	rddreg [dreg:$0x1];
	p0 =	sne.s32 s2, $0x0  }
0x91: {  	s3 =	rddreg [dreg:$0x2];
	[bflag:$0x3] =	sbarrier.arrive $0xFFFF;
	s2 =	simm.s32 @!p0 $0x1C04  }
0x92: {  	[timem:s3], [sflag:s2] =	dma.local @!p0 [hbm:s0], s1  }
0x93: {  	s0 =	simm.s32 @!p0 $0x4  }
0x94: {  	_ =	swait.ge @!p0 [sflag:s0], s1  }
0x95: {  	s1 =	ssub.s32 @!p0 $0x0, s1;
	[sflag:s0] =	ssyncset.done @!p0 $0x0  }
0x96: {  	[sflag:s0] =	ssyncadd.s32 @!p0 s1  }
0x97: {  	[bflag:$0x3] =	sbarrier.arrive $0xFFFF  }
0x98: {  	_ =	shalt  }

</sc_bundles>
